<compile_context>
chip_gen: v7x
topology: tpu7x:2x2x1
jax: 0.10.2.dev20260603
libtpu: 0.0.44.dev20260713+nightly
codegen_flags: <defaults>
</compile_context>

<pallas_src>
import functools

import jax
import jax.numpy as jnp
from jax import lax
from jax.experimental import pallas as pl
from jax.experimental.pallas import tpu as pltpu
from jax.experimental.pallas import tpu_sc as plsc

_N_DST = 10000
_N_EDGES = 320000
_D = 128

_NC = 2
_NS = 16
_COLS = _D // _NC
_EPT = _N_EDGES // _NS
_CHUNK = 400
_SUB = 80
_NSUB = _CHUNK // _SUB
_NSTEPS = _EPT // _CHUNK
_NBUF = 3
_RPT = 640
_PSUB = 80

_mesh = plsc.VectorSubcoreMesh(
    core_axis_name="c", subcore_axis_name="s",
    num_cores=_NC, num_subcores=_NS)


@functools.partial(
    pl.kernel,
    out_type=jax.ShapeDtypeStruct((_N_DST, _D), jnp.float32),
    mesh=_mesh,
    scratch_types=(
        [pltpu.VMEM_SHARED((_NS * _RPT, _COLS), jnp.float32)]
        + [pltpu.VMEM((_CHUNK, _COLS), jnp.float32)] * _NBUF
        + [pltpu.VMEM((_NSUB, _SUB), jnp.int32)] * _NBUF
        + [pltpu.SemaphoreType.DMA] * _NBUF
        + [pltpu.SemaphoreType.DMA] * _NBUF
        + [pltpu.SemaphoreType.DMA]
    ),
    compiler_params=pltpu.CompilerParams(use_tc_tiling_on_sc=False),
)
def _seg_sum(src_hbm, dst2d_hbm, out_hbm, acc, *rest):
    bufs = rest[:_NBUF]
    idxs = rest[_NBUF:2 * _NBUF]
    sem_r = rest[2 * _NBUF:3 * _NBUF]
    sem_i = rest[3 * _NBUF:4 * _NBUF]
    sem_s = rest[4 * _NBUF]
    cid = lax.axis_index("c")
    sid = lax.axis_index("s")
    c0 = cid * _COLS

    def fire(chunk, b):
        e0 = sid * _EPT + chunk * _CHUNK
        pltpu.async_copy(
            src_hbm.at[pl.ds(e0, _CHUNK), pl.ds(c0, _COLS)], bufs[b], sem_r[b])
        pltpu.async_copy(
            dst2d_hbm.at[pl.ds(e0 // _SUB, _NSUB)], idxs[b], sem_i[b])

    for b in range(_NBUF):
        fire(b, b)

    for k in range(_RPT // _PSUB):
        r0 = sid * _RPT + k * _PSUB
        @pl.when(r0 < _N_DST)
        def _(r0=r0):
            pltpu.async_copy(
                src_hbm.at[pl.ds(_N_EDGES + r0, _PSUB), pl.ds(c0, _COLS)],
                acc.at[pl.ds(r0, _PSUB)], sem_s)
    for k in range(_RPT // _PSUB):
        r0 = sid * _RPT + k * _PSUB
        @pl.when(r0 < _N_DST)
        def _(r0=r0):
            pltpu.make_async_copy(
                src_hbm.at[pl.ds(_N_EDGES + r0, _PSUB), pl.ds(c0, _COLS)],
                acc.at[pl.ds(r0, _PSUB)], sem_s).wait()
    plsc.subcore_barrier()

    def process(t, b):
        e0 = sid * _EPT + t * _CHUNK
        pltpu.make_async_copy(
            src_hbm.at[pl.ds(e0, _CHUNK), pl.ds(c0, _COLS)],
            bufs[b], sem_r[b]).wait()
        pltpu.make_async_copy(
            dst2d_hbm.at[pl.ds(e0 // _SUB, _NSUB)], idxs[b], sem_i[b]).wait()
        descs = [
            pltpu.async_copy(bufs[b].at[pl.ds(j * _SUB, _SUB)],
                             acc.at[idxs[b].at[j]], sem_s, add=True)
            for j in range(_NSUB)
        ]
        for d in descs:
            d.wait()
        @pl.when(t + _NBUF < _NSTEPS)
        def _():
            fire(t + _NBUF, b)

    def step(t, _):
        m = lax.rem(t, _NBUF)
        for b in range(_NBUF):
            @pl.when(m == b)
            def _(b=b):
                process(t, b)
        return ()
    lax.fori_loop(0, _NSTEPS, step, ())
    plsc.subcore_barrier()

    for k in range(_RPT // _PSUB):
        r0 = sid * _RPT + k * _PSUB
        @pl.when(r0 < _N_DST)
        def _(r0=r0):
            pltpu.async_copy(acc.at[pl.ds(r0, _PSUB)],
                             out_hbm.at[pl.ds(r0, _PSUB), pl.ds(c0, _COLS)],
                             sem_s)
    for k in range(_RPT // _PSUB):
        r0 = sid * _RPT + k * _PSUB
        @pl.when(r0 < _N_DST)
        def _(r0=r0):
            pltpu.make_async_copy(acc.at[pl.ds(r0, _PSUB)],
                                  out_hbm.at[pl.ds(r0, _PSUB), pl.ds(c0, _COLS)],
                                  sem_s).wait()


def kernel(src_emb, src_emb_in, dst_ids):
    del src_emb_in
    dst2d = dst_ids.astype(jnp.int32).reshape(_N_EDGES // _SUB, _SUB)
    return _seg_sum(src_emb, dst2d)

# --- scband reference (transcript-rebuilt; emitter-appended) ---
"""Pipeline reference for scband-a-sum-op-6631429505523 (READ-ONLY COPY).

The authoritative reference and input builder live on the scoring server;
editing this copy changes nothing except your own understanding.
"""

import jax, jax.numpy as jnp
import numpy as np

N_DST = 10000
N_EDGES = 320000
D_FEAT = 128

def setup_inputs(seed: int = 0) -> dict:
    key = jax.random.key(seed)
    k1, k2, k3 = jax.random.split(key, 3)
    src_emb = jax.random.normal(k1, (N_EDGES + N_DST, D_FEAT), dtype=jnp.float32)
    src_emb_in = jax.random.normal(k2, (N_EDGES + N_DST, D_FEAT), dtype=jnp.float32)
    dst_ids = jax.random.randint(k3, (N_EDGES,), 0, N_DST, dtype=jnp.int64 if jax.config.read('jax_enable_x64') else jnp.int32)
    return {"src_emb": src_emb, "src_emb_in": src_emb_in, "dst_ids": dst_ids}

def reference(src_emb, src_emb_in, dst_ids):
    # DGL semantics: block.edata['msg_e'] = src_emb[:num_edges]
    # update_all(copy_edge, sum) -> per-dst-node sum of incoming edge messages
    E = dst_ids.shape[0]
    msgs = src_emb[:E, :]
    h = jax.ops.segment_sum(msgs, dst_ids, num_segments=N_DST)
    # dropout is identity in eval mode; add dst-node self embeddings
    h_node = h + src_emb[E:, :]
    return h_node

if __name__ == "__main__":
    import jax
    _d = setup_inputs()
    print(jax.jit(kernel)(*tuple(_d.values())))

</pallas_src>

<mosaic_0001>
#map = affine_map<(d0, d1) -> (0, 0)>
module attributes {stable_mosaic.version = 14 : i64} {
  func.func @_seg_sum(%arg0: i32, %arg1: i32, %arg2: memref<330000x128xf32, #tpu.memory_space<hbm>>, %arg3: memref<4000x80xi32, #tpu.memory_space<hbm>>, %arg4: memref<10000x128xf32, #tpu.memory_space<hbm>>, %arg5: memref<10240x64xf32, #tpu.memory_space<vmem_shared>>, %arg6: memref<400x64xf32, #tpu.memory_space<vmem>>, %arg7: memref<400x64xf32, #tpu.memory_space<vmem>>, %arg8: memref<400x64xf32, #tpu.memory_space<vmem>>, %arg9: memref<5x80xi32, #tpu.memory_space<vmem>>, %arg10: memref<5x80xi32, #tpu.memory_space<vmem>>, %arg11: memref<5x80xi32, #tpu.memory_space<vmem>>, %arg12: memref<!tpu.dma_semaphore, #tpu.memory_space<semaphore_mem>>, %arg13: memref<!tpu.dma_semaphore, #tpu.memory_space<semaphore_mem>>, %arg14: memref<!tpu.dma_semaphore, #tpu.memory_space<semaphore_mem>>, %arg15: memref<!tpu.dma_semaphore, #tpu.memory_space<semaphore_mem>>, %arg16: memref<!tpu.dma_semaphore, #tpu.memory_space<semaphore_mem>>, %arg17: memref<!tpu.dma_semaphore, #tpu.memory_space<semaphore_mem>>, %arg18: memref<!tpu.dma_semaphore, #tpu.memory_space<semaphore_mem>>) attributes {dimension_semantics = [#tpu.dimension_semantics<core_parallel>, #tpu.dimension_semantics<subcore_parallel>], iteration_bounds = array<i64: 2, 16>, scalar_prefetch = 0 : i64, scratch_operands = 14 : i64, tpu.core_type = #tpu.core_type<sc_vector_subcore>, window_params = [{transform_indices = #map}, {transform_indices = #map}, {transform_indices = #map}]} {
    %mul3A = arith.constant 64 : i32
    %mul3A_0 = arith.muli %arg0, %mul3A : i32
    %mul3A_1 = arith.constant 20000 : i32
    %mul3A_2 = arith.muli %arg1, %mul3A_1 : i32
    %add3A = arith.constant 0 : i32
    %add3A_3 = arith.addi %mul3A_2, %add3A : i32
    %dma_start3A = tpu.memref_slice %arg2[%add3A_3, %mul3A_0] : memref<330000x128xf32, #tpu.memory_space<hbm>> -> memref<400x64xf32, #tpu.memory_space<hbm>>
    %dma_start3A_4 = tpu.memref_slice %arg2[%add3A_3, %mul3A_0] : memref<330000x128xf32, #tpu.memory_space<hbm>> -> memref<400x64xf32, #tpu.memory_space<hbm>>
    tpu.enqueue_dma source(%dma_start3A_4 : memref<400x64xf32, #tpu.memory_space<hbm>>) target(%arg6 : memref<400x64xf32, #tpu.memory_space<vmem>>) target_semaphore(%arg12 : memref<!tpu.dma_semaphore, #tpu.memory_space<semaphore_mem>>)
    %jit3A = arith.constant 80 : i32
    %div3A = arith.divsi %add3A_3, %jit3A : i32
    %sign3A = arith.constant 0 : i32
    %sign3A_5 = arith.cmpi sgt, %add3A_3, %sign3A : i32
    %sign3A_6 = arith.extui %sign3A_5 : i1 to i32
    %sign3A_7 = arith.constant 0 : i32
    %sign3A_8 = arith.cmpi slt, %add3A_3, %sign3A_7 : i32
    %sign3A_9 = arith.extui %sign3A_8 : i1 to i32
    %sign3A_10 = arith.subi %sign3A_6, %sign3A_9 : i32
    %sign3A_11 = arith.constant 0 : i32
    %sign3A_12 = arith.cmpi sgt, %jit3A, %sign3A_11 : i32
    %sign3A_13 = arith.extui %sign3A_12 : i1 to i32
    %sign3A_14 = arith.constant 0 : i32
    %sign3A_15 = arith.cmpi slt, %jit3A, %sign3A_14 : i32
    %sign3A_16 = arith.extui %sign3A_15 : i1 to i32
    %sign3A_17 = arith.subi %sign3A_13, %sign3A_16 : i32
    %ne3A = arith.cmpi ne, %sign3A_10, %sign3A_17 : i32
    %rem3A = arith.remsi %add3A_3, %jit3A : i32
    %ne3A_18 = arith.constant 0 : i32
    %ne3A_19 = arith.cmpi ne, %rem3A, %ne3A_18 : i32
    %and3A = arith.andi %ne3A, %ne3A_19 : i1
    %sub3A = arith.constant 1 : i32
    %sub3A_20 = arith.subi %div3A, %sub3A : i32
    %select_n3A = arith.select %and3A, %sub3A_20, %div3A : i32
    %dma_start3A_21 = arith.constant 0 : i32
    %dma_start3A_22 = tpu.memref_slice %arg3[%select_n3A, %dma_start3A_21] : memref<4000x80xi32, #tpu.memory_space<hbm>> -> memref<5x80xi32, #tpu.memory_space<hbm>>
    %dma_start3A_23 = arith.constant 0 : i32
    %dma_start3A_24 = tpu.memref_slice %arg3[%select_n3A, %dma_start3A_23] : memref<4000x80xi32, #tpu.memory_space<hbm>> -> memref<5x80xi32, #tpu.memory_space<hbm>>
    tpu.enqueue_dma source(%dma_start3A_24 : memref<5x80xi32, #tpu.memory_space<hbm>>) target(%arg9 : memref<5x80xi32, #tpu.memory_space<vmem>>) target_semaphore(%arg15 : memref<!tpu.dma_semaphore, #tpu.memory_space<semaphore_mem>>)
    %mul3A_25 = arith.constant 20000 : i32
    %mul3A_26 = arith.muli %arg1, %mul3A_25 : i32
    %add3A_27 = arith.constant 400 : i32
    %add3A_28 = arith.addi %mul3A_26, %add3A_27 : i32
    %dma_start3A_29 = tpu.memref_slice %arg2[%add3A_28, %mul3A_0] : memref<330000x128xf32, #tpu.memory_space<hbm>> -> memref<400x64xf32, #tpu.memory_space<hbm>>
    %dma_start3A_30 = tpu.memref_slice %arg2[%add3A_28, %mul3A_0] : memref<330000x128xf32, #tpu.memory_space<hbm>> -> memref<400x64xf32, #tpu.memory_space<hbm>>
    tpu.enqueue_dma source(%dma_start3A_30 : memref<400x64xf32, #tpu.memory_space<hbm>>) target(%arg7 : memref<400x64xf32, #tpu.memory_space<vmem>>) target_semaphore(%arg13 : memref<!tpu.dma_semaphore, #tpu.memory_space<semaphore_mem>>)
    %jit3A_31 = arith.constant 80 : i32
    %div3A_32 = arith.divsi %add3A_28, %jit3A_31 : i32
    %sign3A_33 = arith.constant 0 : i32
    %sign3A_34 = arith.cmpi sgt, %add3A_28, %sign3A_33 : i32
    %sign3A_35 = arith.extui %sign3A_34 : i1 to i32
    %sign3A_36 = arith.constant 0 : i32
    %sign3A_37 = arith.cmpi slt, %add3A_28, %sign3A_36 : i32
    %sign3A_38 = arith.extui %sign3A_37 : i1 to i32
    %sign3A_39 = arith.subi %sign3A_35, %sign3A_38 : i32
    %sign3A_40 = arith.constant 0 : i32
    %sign3A_41 = arith.cmpi sgt, %jit3A_31, %sign3A_40 : i32
    %sign3A_42 = arith.extui %sign3A_41 : i1 to i32
    %sign3A_43 = arith.constant 0 : i32
    %sign3A_44 = arith.cmpi slt, %jit3A_31, %sign3A_43 : i32
    %sign3A_45 = arith.extui %sign3A_44 : i1 to i32
    %sign3A_46 = arith.subi %sign3A_42, %sign3A_45 : i32
    %ne3A_47 = arith.cmpi ne, %sign3A_39, %sign3A_46 : i32
    %rem3A_48 = arith.remsi %add3A_28, %jit3A_31 : i32
    %ne3A_49 = arith.constant 0 : i32
    %ne3A_50 = arith.cmpi ne, %rem3A_48, %ne3A_49 : i32
    %and3A_51 = arith.andi %ne3A_47, %ne3A_50 : i1
    %sub3A_52 = arith.constant 1 : i32
    %sub3A_53 = arith.subi %div3A_32, %sub3A_52 : i32
    %select_n3A_54 = arith.select %and3A_51, %sub3A_53, %div3A_32 : i32
    %dma_start3A_55 = arith.constant 0 : i32
    %dma_start3A_56 = tpu.memref_slice %arg3[%select_n3A_54, %dma_start3A_55] : memref<4000x80xi32, #tpu.memory_space<hbm>> -> memref<5x80xi32, #tpu.memory_space<hbm>>
    %dma_start3A_57 = arith.constant 0 : i32
    %dma_start3A_58 = tpu.memref_slice %arg3[%select_n3A_54, %dma_start3A_57] : memref<4000x80xi32, #tpu.memory_space<hbm>> -> memref<5x80xi32, #tpu.memory_space<hbm>>
    tpu.enqueue_dma source(%dma_start3A_58 : memref<5x80xi32, #tpu.memory_space<hbm>>) target(%arg10 : memref<5x80xi32, #tpu.memory_space<vmem>>) target_semaphore(%arg16 : memref<!tpu.dma_semaphore, #tpu.memory_space<semaphore_mem>>)
    %mul3A_59 = arith.constant 20000 : i32
    %mul3A_60 = arith.muli %arg1, %mul3A_59 : i32
    %add3A_61 = arith.constant 800 : i32
    %add3A_62 = arith.addi %mul3A_60, %add3A_61 : i32
    %dma_start3A_63 = tpu.memref_slice %arg2[%add3A_62, %mul3A_0] : memref<330000x128xf32, #tpu.memory_space<hbm>> -> memref<400x64xf32, #tpu.memory_space<hbm>>
    %dma_start3A_64 = tpu.memref_slice %arg2[%add3A_62, %mul3A_0] : memref<330000x128xf32, #tpu.memory_space<hbm>> -> memref<400x64xf32, #tpu.memory_space<hbm>>
    tpu.enqueue_dma source(%dma_start3A_64 : memref<400x64xf32, #tpu.memory_space<hbm>>) target(%arg8 : memref<400x64xf32, #tpu.memory_space<vmem>>) target_semaphore(%arg14 : memref<!tpu.dma_semaphore, #tpu.memory_space<semaphore_mem>>)
    %jit3A_65 = arith.constant 80 : i32
    %div3A_66 = arith.divsi %add3A_62, %jit3A_65 : i32
    %sign3A_67 = arith.constant 0 : i32
    %sign3A_68 = arith.cmpi sgt, %add3A_62, %sign3A_67 : i32
    %sign3A_69 = arith.extui %sign3A_68 : i1 to i32
    %sign3A_70 = arith.constant 0 : i32
    %sign3A_71 = arith.cmpi slt, %add3A_62, %sign3A_70 : i32
    %sign3A_72 = arith.extui %sign3A_71 : i1 to i32
    %sign3A_73 = arith.subi %sign3A_69, %sign3A_72 : i32
    %sign3A_74 = arith.constant 0 : i32
    %sign3A_75 = arith.cmpi sgt, %jit3A_65, %sign3A_74 : i32
    %sign3A_76 = arith.extui %sign3A_75 : i1 to i32
    %sign3A_77 = arith.constant 0 : i32
    %sign3A_78 = arith.cmpi slt, %jit3A_65, %sign3A_77 : i32
    %sign3A_79 = arith.extui %sign3A_78 : i1 to i32
    %sign3A_80 = arith.subi %sign3A_76, %sign3A_79 : i32
    %ne3A_81 = arith.cmpi ne, %sign3A_73, %sign3A_80 : i32
    %rem3A_82 = arith.remsi %add3A_62, %jit3A_65 : i32
    %ne3A_83 = arith.constant 0 : i32
    %ne3A_84 = arith.cmpi ne, %rem3A_82, %ne3A_83 : i32
    %and3A_85 = arith.andi %ne3A_81, %ne3A_84 : i1
    %sub3A_86 = arith.constant 1 : i32
    %sub3A_87 = arith.subi %div3A_66, %sub3A_86 : i32
    %select_n3A_88 = arith.select %and3A_85, %sub3A_87, %div3A_66 : i32
    %dma_start3A_89 = arith.constant 0 : i32
    %dma_start3A_90 = tpu.memref_slice %arg3[%select_n3A_88, %dma_start3A_89] : memref<4000x80xi32, #tpu.memory_space<hbm>> -> memref<5x80xi32, #tpu.memory_space<hbm>>
    %dma_start3A_91 = arith.constant 0 : i32
    %dma_start3A_92 = tpu.memref_slice %arg3[%select_n3A_88, %dma_start3A_91] : memref<4000x80xi32, #tpu.memory_space<hbm>> -> memref<5x80xi32, #tpu.memory_space<hbm>>
    tpu.enqueue_dma source(%dma_start3A_92 : memref<5x80xi32, #tpu.memory_space<hbm>>) target(%arg11 : memref<5x80xi32, #tpu.memory_space<vmem>>) target_semaphore(%arg17 : memref<!tpu.dma_semaphore, #tpu.memory_space<semaphore_mem>>)
    %mul3A_93 = arith.constant 640 : i32
    %mul3A_94 = arith.muli %arg1, %mul3A_93 : i32
    %add3A_95 = arith.constant 0 : i32
    %add3A_96 = arith.addi %mul3A_94, %add3A_95 : i32
    %lt3A = arith.constant 10000 : i32
    %lt3A_97 = arith.cmpi slt, %add3A_96, %lt3A : i32
    %convert_element_type3A = arith.extui %lt3A_97 : i1 to i32
    %cond3A = arith.constant 0 : i32
    %cond3A_98 = arith.cmpi ne, %convert_element_type3A, %cond3A : i32
    scf.if %cond3A_98 {
      %add3A_383 = arith.constant 320000 : i32
      %add3A_384 = arith.addi %add3A_383, %add3A_96 : i32
      %dma_start3A_385 = arith.constant 0 : i32
      %dma_start3A_386 = tpu.memref_slice %arg5[%add3A_96, %dma_start3A_385] : memref<10240x64xf32, #tpu.memory_space<vmem_shared>> -> memref<80x64xf32, #tpu.memory_space<vmem_shared>>
      %dma_start3A_387 = tpu.memref_slice %arg2[%add3A_384, %mul3A_0] : memref<330000x128xf32, #tpu.memory_space<hbm>> -> memref<80x64xf32, #tpu.memory_space<hbm>>
      tpu.enqueue_dma source(%dma_start3A_387 : memref<80x64xf32, #tpu.memory_space<hbm>>) target(%dma_start3A_386 : memref<80x64xf32, #tpu.memory_space<vmem_shared>>) target_semaphore(%arg18 : memref<!tpu.dma_semaphore, #tpu.memory_space<semaphore_mem>>)
    } else {
    }
    %mul3A_99 = arith.constant 640 : i32
    %mul3A_100 = arith.muli %arg1, %mul3A_99 : i32
    %add3A_101 = arith.constant 80 : i32
    %add3A_102 = arith.addi %mul3A_100, %add3A_101 : i32
    %lt3A_103 = arith.constant 10000 : i32
    %lt3A_104 = arith.cmpi slt, %add3A_102, %lt3A_103 : i32
    %convert_element_type3A_105 = arith.extui %lt3A_104 : i1 to i32
    %cond3A_106 = arith.constant 0 : i32
    %cond3A_107 = arith.cmpi ne, %convert_element_type3A_105, %cond3A_106 : i32
    scf.if %cond3A_107 {
      %add3A_383 = arith.constant 320000 : i32
      %add3A_384 = arith.addi %add3A_383, %add3A_102 : i32
      %dma_start3A_385 = arith.constant 0 : i32
      %dma_start3A_386 = tpu.memref_slice %arg5[%add3A_102, %dma_start3A_385] : memref<10240x64xf32, #tpu.memory_space<vmem_shared>> -> memref<80x64xf32, #tpu.memory_space<vmem_shared>>
      %dma_start3A_387 = tpu.memref_slice %arg2[%add3A_384, %mul3A_0] : memref<330000x128xf32, #tpu.memory_space<hbm>> -> memref<80x64xf32, #tpu.memory_space<hbm>>
      tpu.enqueue_dma source(%dma_start3A_387 : memref<80x64xf32, #tpu.memory_space<hbm>>) target(%dma_start3A_386 : memref<80x64xf32, #tpu.memory_space<vmem_shared>>) target_semaphore(%arg18 : memref<!tpu.dma_semaphore, #tpu.memory_space<semaphore_mem>>)
    } else {
    }
    %mul3A_108 = arith.constant 640 : i32
    %mul3A_109 = arith.muli %arg1, %mul3A_108 : i32
    %add3A_110 = arith.constant 160 : i32
    %add3A_111 = arith.addi %mul3A_109, %add3A_110 : i32
    %lt3A_112 = arith.constant 10000 : i32
    %lt3A_113 = arith.cmpi slt, %add3A_111, %lt3A_112 : i32
    %convert_element_type3A_114 = arith.extui %lt3A_113 : i1 to i32
    %cond3A_115 = arith.constant 0 : i32
    %cond3A_116 = arith.cmpi ne, %convert_element_type3A_114, %cond3A_115 : i32
    scf.if %cond3A_116 {
      %add3A_383 = arith.constant 320000 : i32
      %add3A_384 = arith.addi %add3A_383, %add3A_111 : i32
      %dma_start3A_385 = arith.constant 0 : i32
      %dma_start3A_386 = tpu.memref_slice %arg5[%add3A_111, %dma_start3A_385] : memref<10240x64xf32, #tpu.memory_space<vmem_shared>> -> memref<80x64xf32, #tpu.memory_space<vmem_shared>>
      %dma_start3A_387 = tpu.memref_slice %arg2[%add3A_384, %mul3A_0] : memref<330000x128xf32, #tpu.memory_space<hbm>> -> memref<80x64xf32, #tpu.memory_space<hbm>>
      tpu.enqueue_dma source(%dma_start3A_387 : memref<80x64xf32, #tpu.memory_space<hbm>>) target(%dma_start3A_386 : memref<80x64xf32, #tpu.memory_space<vmem_shared>>) target_semaphore(%arg18 : memref<!tpu.dma_semaphore, #tpu.memory_space<semaphore_mem>>)
    } else {
    }
    %mul3A_117 = arith.constant 640 : i32
    %mul3A_118 = arith.muli %arg1, %mul3A_117 : i32
    %add3A_119 = arith.constant 240 : i32
    %add3A_120 = arith.addi %mul3A_118, %add3A_119 : i32
    %lt3A_121 = arith.constant 10000 : i32
    %lt3A_122 = arith.cmpi slt, %add3A_120, %lt3A_121 : i32
    %convert_element_type3A_123 = arith.extui %lt3A_122 : i1 to i32
    %cond3A_124 = arith.constant 0 : i32
    %cond3A_125 = arith.cmpi ne, %convert_element_type3A_123, %cond3A_124 : i32
    scf.if %cond3A_125 {
      %add3A_383 = arith.constant 320000 : i32
      %add3A_384 = arith.addi %add3A_383, %add3A_120 : i32
      %dma_start3A_385 = arith.constant 0 : i32
      %dma_start3A_386 = tpu.memref_slice %arg5[%add3A_120, %dma_start3A_385] : memref<10240x64xf32, #tpu.memory_space<vmem_shared>> -> memref<80x64xf32, #tpu.memory_space<vmem_shared>>
      %dma_start3A_387 = tpu.memref_slice %arg2[%add3A_384, %mul3A_0] : memref<330000x128xf32, #tpu.memory_space<hbm>> -> memref<80x64xf32, #tpu.memory_space<hbm>>
      tpu.enqueue_dma source(%dma_start3A_387 : memref<80x64xf32, #tpu.memory_space<hbm>>) target(%dma_start3A_386 : memref<80x64xf32, #tpu.memory_space<vmem_shared>>) target_semaphore(%arg18 : memref<!tpu.dma_semaphore, #tpu.memory_space<semaphore_mem>>)
    } else {
    }
    %mul3A_126 = arith.constant 640 : i32
    %mul3A_127 = arith.muli %arg1, %mul3A_126 : i32
    %add3A_128 = arith.constant 320 : i32
    %add3A_129 = arith.addi %mul3A_127, %add3A_128 : i32
    %lt3A_130 = arith.constant 10000 : i32
    %lt3A_131 = arith.cmpi slt, %add3A_129, %lt3A_130 : i32
    %convert_element_type3A_132 = arith.extui %lt3A_131 : i1 to i32
    %cond3A_133 = arith.constant 0 : i32
    %cond3A_134 = arith.cmpi ne, %convert_element_type3A_132, %cond3A_133 : i32
    scf.if %cond3A_134 {
      %add3A_383 = arith.constant 320000 : i32
      %add3A_384 = arith.addi %add3A_383, %add3A_129 : i32
      %dma_start3A_385 = arith.constant 0 : i32
      %dma_start3A_386 = tpu.memref_slice %arg5[%add3A_129, %dma_start3A_385] : memref<10240x64xf32, #tpu.memory_space<vmem_shared>> -> memref<80x64xf32, #tpu.memory_space<vmem_shared>>
      %dma_start3A_387 = tpu.memref_slice %arg2[%add3A_384, %mul3A_0] : memref<330000x128xf32, #tpu.memory_space<hbm>> -> memref<80x64xf32, #tpu.memory_space<hbm>>
      tpu.enqueue_dma source(%dma_start3A_387 : memref<80x64xf32, #tpu.memory_space<hbm>>) target(%dma_start3A_386 : memref<80x64xf32, #tpu.memory_space<vmem_shared>>) target_semaphore(%arg18 : memref<!tpu.dma_semaphore, #tpu.memory_space<semaphore_mem>>)
    } else {
    }
    %mul3A_135 = arith.constant 640 : i32
    %mul3A_136 = arith.muli %arg1, %mul3A_135 : i32
    %add3A_137 = arith.constant 400 : i32
    %add3A_138 = arith.addi %mul3A_136, %add3A_137 : i32
    %lt3A_139 = arith.constant 10000 : i32
    %lt3A_140 = arith.cmpi slt, %add3A_138, %lt3A_139 : i32
    %convert_element_type3A_141 = arith.extui %lt3A_140 : i1 to i32
    %cond3A_142 = arith.constant 0 : i32
    %cond3A_143 = arith.cmpi ne, %convert_element_type3A_141, %cond3A_142 : i32
    scf.if %cond3A_143 {
      %add3A_383 = arith.constant 320000 : i32
      %add3A_384 = arith.addi %add3A_383, %add3A_138 : i32
      %dma_start3A_385 = arith.constant 0 : i32
      %dma_start3A_386 = tpu.memref_slice %arg5[%add3A_138, %dma_start3A_385] : memref<10240x64xf32, #tpu.memory_space<vmem_shared>> -> memref<80x64xf32, #tpu.memory_space<vmem_shared>>
      %dma_start3A_387 = tpu.memref_slice %arg2[%add3A_384, %mul3A_0] : memref<330000x128xf32, #tpu.memory_space<hbm>> -> memref<80x64xf32, #tpu.memory_space<hbm>>
      tpu.enqueue_dma source(%dma_start3A_387 : memref<80x64xf32, #tpu.memory_space<hbm>>) target(%dma_start3A_386 : memref<80x64xf32, #tpu.memory_space<vmem_shared>>) target_semaphore(%arg18 : memref<!tpu.dma_semaphore, #tpu.memory_space<semaphore_mem>>)
    } else {
    }
    %mul3A_144 = arith.constant 640 : i32
    %mul3A_145 = arith.muli %arg1, %mul3A_144 : i32
    %add3A_146 = arith.constant 480 : i32
    %add3A_147 = arith.addi %mul3A_145, %add3A_146 : i32
    %lt3A_148 = arith.constant 10000 : i32
    %lt3A_149 = arith.cmpi slt, %add3A_147, %lt3A_148 : i32
    %convert_element_type3A_150 = arith.extui %lt3A_149 : i1 to i32
    %cond3A_151 = arith.constant 0 : i32
    %cond3A_152 = arith.cmpi ne, %convert_element_type3A_150, %cond3A_151 : i32
    scf.if %cond3A_152 {
      %add3A_383 = arith.constant 320000 : i32
      %add3A_384 = arith.addi %add3A_383, %add3A_147 : i32
      %dma_start3A_385 = arith.constant 0 : i32
      %dma_start3A_386 = tpu.memref_slice %arg5[%add3A_147, %dma_start3A_385] : memref<10240x64xf32, #tpu.memory_space<vmem_shared>> -> memref<80x64xf32, #tpu.memory_space<vmem_shared>>
      %dma_start3A_387 = tpu.memref_slice %arg2[%add3A_384, %mul3A_0] : memref<330000x128xf32, #tpu.memory_space<hbm>> -> memref<80x64xf32, #tpu.memory_space<hbm>>
      tpu.enqueue_dma source(%dma_start3A_387 : memref<80x64xf32, #tpu.memory_space<hbm>>) target(%dma_start3A_386 : memref<80x64xf32, #tpu.memory_space<vmem_shared>>) target_semaphore(%arg18 : memref<!tpu.dma_semaphore, #tpu.memory_space<semaphore_mem>>)
    } else {
    }
    %mul3A_153 = arith.constant 640 : i32
    %mul3A_154 = arith.muli %arg1, %mul3A_153 : i32
    %add3A_155 = arith.constant 560 : i32
    %add3A_156 = arith.addi %mul3A_154, %add3A_155 : i32
    %lt3A_157 = arith.constant 10000 : i32
    %lt3A_158 = arith.cmpi slt, %add3A_156, %lt3A_157 : i32
    %convert_element_type3A_159 = arith.extui %lt3A_158 : i1 to i32
    %cond3A_160 = arith.constant 0 : i32
    %cond3A_161 = arith.cmpi ne, %convert_element_type3A_159, %cond3A_160 : i32
    scf.if %cond3A_161 {
      %add3A_383 = arith.constant 320000 : i32
      %add3A_384 = arith.addi %add3A_383, %add3A_156 : i32
      %dma_start3A_385 = arith.constant 0 : i32
      %dma_start3A_386 = tpu.memref_slice %arg5[%add3A_156, %dma_start3A_385] : memref<10240x64xf32, #tpu.memory_space<vmem_shared>> -> memref<80x64xf32, #tpu.memory_space<vmem_shared>>
      %dma_start3A_387 = tpu.memref_slice %arg2[%add3A_384, %mul3A_0] : memref<330000x128xf32, #tpu.memory_space<hbm>> -> memref<80x64xf32, #tpu.memory_space<hbm>>
      tpu.enqueue_dma source(%dma_start3A_387 : memref<80x64xf32, #tpu.memory_space<hbm>>) target(%dma_start3A_386 : memref<80x64xf32, #tpu.memory_space<vmem_shared>>) target_semaphore(%arg18 : memref<!tpu.dma_semaphore, #tpu.memory_space<semaphore_mem>>)
    } else {
    }
    %mul3A_162 = arith.constant 640 : i32
    %mul3A_163 = arith.muli %arg1, %mul3A_162 : i32
    %add3A_164 = arith.constant 0 : i32
    %add3A_165 = arith.addi %mul3A_163, %add3A_164 : i32
    %lt3A_166 = arith.constant 10000 : i32
    %lt3A_167 = arith.cmpi slt, %add3A_165, %lt3A_166 : i32
    %convert_element_type3A_168 = arith.extui %lt3A_167 : i1 to i32
    %cond3A_169 = arith.constant 0 : i32
    %cond3A_170 = arith.cmpi ne, %convert_element_type3A_168, %cond3A_169 : i32
    scf.if %cond3A_170 {
      %add3A_383 = arith.constant 320000 : i32
      %add3A_384 = arith.addi %add3A_383, %add3A_165 : i32
      %dma_wait3A = arith.constant 0 : i32
      %dma_wait3A_385 = tpu.memref_slice %arg5[%add3A_165, %dma_wait3A] : memref<10240x64xf32, #tpu.memory_space<vmem_shared>> -> memref<80x64xf32, #tpu.memory_space<vmem_shared>>
      %dma_wait3A_386 = tpu.memref_slice %arg2[%add3A_384, %mul3A_0] : memref<330000x128xf32, #tpu.memory_space<hbm>> -> memref<80x64xf32, #tpu.memory_space<hbm>>
      tpu.wait_dma2 semaphore(%arg18 : memref<!tpu.dma_semaphore, #tpu.memory_space<semaphore_mem>>) src(%dma_wait3A_386 : memref<80x64xf32, #tpu.memory_space<hbm>>) dst(%dma_wait3A_385 : memref<80x64xf32, #tpu.memory_space<vmem_shared>>)
    } else {
    }
    %mul3A_171 = arith.constant 640 : i32
    %mul3A_172 = arith.muli %arg1, %mul3A_171 : i32
    %add3A_173 = arith.constant 80 : i32
    %add3A_174 = arith.addi %mul3A_172, %add3A_173 : i32
    %lt3A_175 = arith.constant 10000 : i32
    %lt3A_176 = arith.cmpi slt, %add3A_174, %lt3A_175 : i32
    %convert_element_type3A_177 = arith.extui %lt3A_176 : i1 to i32
    %cond3A_178 = arith.constant 0 : i32
    %cond3A_179 = arith.cmpi ne, %convert_element_type3A_177, %cond3A_178 : i32
    scf.if %cond3A_179 {
      %add3A_383 = arith.constant 320000 : i32
      %add3A_384 = arith.addi %add3A_383, %add3A_174 : i32
      %dma_wait3A = arith.constant 0 : i32
      %dma_wait3A_385 = tpu.memref_slice %arg5[%add3A_174, %dma_wait3A] : memref<10240x64xf32, #tpu.memory_space<vmem_shared>> -> memref<80x64xf32, #tpu.memory_space<vmem_shared>>
      %dma_wait3A_386 = tpu.memref_slice %arg2[%add3A_384, %mul3A_0] : memref<330000x128xf32, #tpu.memory_space<hbm>> -> memref<80x64xf32, #tpu.memory_space<hbm>>
      tpu.wait_dma2 semaphore(%arg18 : memref<!tpu.dma_semaphore, #tpu.memory_space<semaphore_mem>>) src(%dma_wait3A_386 : memref<80x64xf32, #tpu.memory_space<hbm>>) dst(%dma_wait3A_385 : memref<80x64xf32, #tpu.memory_space<vmem_shared>>)
    } else {
    }
    %mul3A_180 = arith.constant 640 : i32
    %mul3A_181 = arith.muli %arg1, %mul3A_180 : i32
    %add3A_182 = arith.constant 160 : i32
    %add3A_183 = arith.addi %mul3A_181, %add3A_182 : i32
    %lt3A_184 = arith.constant 10000 : i32
    %lt3A_185 = arith.cmpi slt, %add3A_183, %lt3A_184 : i32
    %convert_element_type3A_186 = arith.extui %lt3A_185 : i1 to i32
    %cond3A_187 = arith.constant 0 : i32
    %cond3A_188 = arith.cmpi ne, %convert_element_type3A_186, %cond3A_187 : i32
    scf.if %cond3A_188 {
      %add3A_383 = arith.constant 320000 : i32
      %add3A_384 = arith.addi %add3A_383, %add3A_183 : i32
      %dma_wait3A = arith.constant 0 : i32
      %dma_wait3A_385 = tpu.memref_slice %arg5[%add3A_183, %dma_wait3A] : memref<10240x64xf32, #tpu.memory_space<vmem_shared>> -> memref<80x64xf32, #tpu.memory_space<vmem_shared>>
      %dma_wait3A_386 = tpu.memref_slice %arg2[%add3A_384, %mul3A_0] : memref<330000x128xf32, #tpu.memory_space<hbm>> -> memref<80x64xf32, #tpu.memory_space<hbm>>
      tpu.wait_dma2 semaphore(%arg18 : memref<!tpu.dma_semaphore, #tpu.memory_space<semaphore_mem>>) src(%dma_wait3A_386 : memref<80x64xf32, #tpu.memory_space<hbm>>) dst(%dma_wait3A_385 : memref<80x64xf32, #tpu.memory_space<vmem_shared>>)
    } else {
    }
    %mul3A_189 = arith.constant 640 : i32
    %mul3A_190 = arith.muli %arg1, %mul3A_189 : i32
    %add3A_191 = arith.constant 240 : i32
    %add3A_192 = arith.addi %mul3A_190, %add3A_191 : i32
    %lt3A_193 = arith.constant 10000 : i32
    %lt3A_194 = arith.cmpi slt, %add3A_192, %lt3A_193 : i32
    %convert_element_type3A_195 = arith.extui %lt3A_194 : i1 to i32
    %cond3A_196 = arith.constant 0 : i32
    %cond3A_197 = arith.cmpi ne, %convert_element_type3A_195, %cond3A_196 : i32
    scf.if %cond3A_197 {
      %add3A_383 = arith.constant 320000 : i32
      %add3A_384 = arith.addi %add3A_383, %add3A_192 : i32
      %dma_wait3A = arith.constant 0 : i32
      %dma_wait3A_385 = tpu.memref_slice %arg5[%add3A_192, %dma_wait3A] : memref<10240x64xf32, #tpu.memory_space<vmem_shared>> -> memref<80x64xf32, #tpu.memory_space<vmem_shared>>
      %dma_wait3A_386 = tpu.memref_slice %arg2[%add3A_384, %mul3A_0] : memref<330000x128xf32, #tpu.memory_space<hbm>> -> memref<80x64xf32, #tpu.memory_space<hbm>>
      tpu.wait_dma2 semaphore(%arg18 : memref<!tpu.dma_semaphore, #tpu.memory_space<semaphore_mem>>) src(%dma_wait3A_386 : memref<80x64xf32, #tpu.memory_space<hbm>>) dst(%dma_wait3A_385 : memref<80x64xf32, #tpu.memory_space<vmem_shared>>)
    } else {
    }
    %mul3A_198 = arith.constant 640 : i32
    %mul3A_199 = arith.muli %arg1, %mul3A_198 : i32
    %add3A_200 = arith.constant 320 : i32
    %add3A_201 = arith.addi %mul3A_199, %add3A_200 : i32
    %lt3A_202 = arith.constant 10000 : i32
    %lt3A_203 = arith.cmpi slt, %add3A_201, %lt3A_202 : i32
    %convert_element_type3A_204 = arith.extui %lt3A_203 : i1 to i32
    %cond3A_205 = arith.constant 0 : i32
    %cond3A_206 = arith.cmpi ne, %convert_element_type3A_204, %cond3A_205 : i32
    scf.if %cond3A_206 {
      %add3A_383 = arith.constant 320000 : i32
      %add3A_384 = arith.addi %add3A_383, %add3A_201 : i32
      %dma_wait3A = arith.constant 0 : i32
      %dma_wait3A_385 = tpu.memref_slice %arg5[%add3A_201, %dma_wait3A] : memref<10240x64xf32, #tpu.memory_space<vmem_shared>> -> memref<80x64xf32, #tpu.memory_space<vmem_shared>>
      %dma_wait3A_386 = tpu.memref_slice %arg2[%add3A_384, %mul3A_0] : memref<330000x128xf32, #tpu.memory_space<hbm>> -> memref<80x64xf32, #tpu.memory_space<hbm>>
      tpu.wait_dma2 semaphore(%arg18 : memref<!tpu.dma_semaphore, #tpu.memory_space<semaphore_mem>>) src(%dma_wait3A_386 : memref<80x64xf32, #tpu.memory_space<hbm>>) dst(%dma_wait3A_385 : memref<80x64xf32, #tpu.memory_space<vmem_shared>>)
    } else {
    }
    %mul3A_207 = arith.constant 640 : i32
    %mul3A_208 = arith.muli %arg1, %mul3A_207 : i32
    %add3A_209 = arith.constant 400 : i32
    %add3A_210 = arith.addi %mul3A_208, %add3A_209 : i32
    %lt3A_211 = arith.constant 10000 : i32
    %lt3A_212 = arith.cmpi slt, %add3A_210, %lt3A_211 : i32
    %convert_element_type3A_213 = arith.extui %lt3A_212 : i1 to i32
    %cond3A_214 = arith.constant 0 : i32
    %cond3A_215 = arith.cmpi ne, %convert_element_type3A_213, %cond3A_214 : i32
    scf.if %cond3A_215 {
      %add3A_383 = arith.constant 320000 : i32
      %add3A_384 = arith.addi %add3A_383, %add3A_210 : i32
      %dma_wait3A = arith.constant 0 : i32
      %dma_wait3A_385 = tpu.memref_slice %arg5[%add3A_210, %dma_wait3A] : memref<10240x64xf32, #tpu.memory_space<vmem_shared>> -> memref<80x64xf32, #tpu.memory_space<vmem_shared>>
      %dma_wait3A_386 = tpu.memref_slice %arg2[%add3A_384, %mul3A_0] : memref<330000x128xf32, #tpu.memory_space<hbm>> -> memref<80x64xf32, #tpu.memory_space<hbm>>
      tpu.wait_dma2 semaphore(%arg18 : memref<!tpu.dma_semaphore, #tpu.memory_space<semaphore_mem>>) src(%dma_wait3A_386 : memref<80x64xf32, #tpu.memory_space<hbm>>) dst(%dma_wait3A_385 : memref<80x64xf32, #tpu.memory_space<vmem_shared>>)
    } else {
    }
    %mul3A_216 = arith.constant 640 : i32
    %mul3A_217 = arith.muli %arg1, %mul3A_216 : i32
    %add3A_218 = arith.constant 480 : i32
    %add3A_219 = arith.addi %mul3A_217, %add3A_218 : i32
    %lt3A_220 = arith.constant 10000 : i32
    %lt3A_221 = arith.cmpi slt, %add3A_219, %lt3A_220 : i32
    %convert_element_type3A_222 = arith.extui %lt3A_221 : i1 to i32
    %cond3A_223 = arith.constant 0 : i32
    %cond3A_224 = arith.cmpi ne, %convert_element_type3A_222, %cond3A_223 : i32
    scf.if %cond3A_224 {
      %add3A_383 = arith.constant 320000 : i32
      %add3A_384 = arith.addi %add3A_383, %add3A_219 : i32
      %dma_wait3A = arith.constant 0 : i32
      %dma_wait3A_385 = tpu.memref_slice %arg5[%add3A_219, %dma_wait3A] : memref<10240x64xf32, #tpu.memory_space<vmem_shared>> -> memref<80x64xf32, #tpu.memory_space<vmem_shared>>
      %dma_wait3A_386 = tpu.memref_slice %arg2[%add3A_384, %mul3A_0] : memref<330000x128xf32, #tpu.memory_space<hbm>> -> memref<80x64xf32, #tpu.memory_space<hbm>>
      tpu.wait_dma2 semaphore(%arg18 : memref<!tpu.dma_semaphore, #tpu.memory_space<semaphore_mem>>) src(%dma_wait3A_386 : memref<80x64xf32, #tpu.memory_space<hbm>>) dst(%dma_wait3A_385 : memref<80x64xf32, #tpu.memory_space<vmem_shared>>)
    } else {
    }
    %mul3A_225 = arith.constant 640 : i32
    %mul3A_226 = arith.muli %arg1, %mul3A_225 : i32
    %add3A_227 = arith.constant 560 : i32
    %add3A_228 = arith.addi %mul3A_226, %add3A_227 : i32
    %lt3A_229 = arith.constant 10000 : i32
    %lt3A_230 = arith.cmpi slt, %add3A_228, %lt3A_229 : i32
    %convert_element_type3A_231 = arith.extui %lt3A_230 : i1 to i32
    %cond3A_232 = arith.constant 0 : i32
    %cond3A_233 = arith.cmpi ne, %convert_element_type3A_231, %cond3A_232 : i32
    scf.if %cond3A_233 {
      %add3A_383 = arith.constant 320000 : i32
      %add3A_384 = arith.addi %add3A_383, %add3A_228 : i32
      %dma_wait3A = arith.constant 0 : i32
      %dma_wait3A_385 = tpu.memref_slice %arg5[%add3A_228, %dma_wait3A] : memref<10240x64xf32, #tpu.memory_space<vmem_shared>> -> memref<80x64xf32, #tpu.memory_space<vmem_shared>>
      %dma_wait3A_386 = tpu.memref_slice %arg2[%add3A_384, %mul3A_0] : memref<330000x128xf32, #tpu.memory_space<hbm>> -> memref<80x64xf32, #tpu.memory_space<hbm>>
      tpu.wait_dma2 semaphore(%arg18 : memref<!tpu.dma_semaphore, #tpu.memory_space<semaphore_mem>>) src(%dma_wait3A_386 : memref<80x64xf32, #tpu.memory_space<hbm>>) dst(%dma_wait3A_385 : memref<80x64xf32, #tpu.memory_space<vmem_shared>>)
    } else {
    }
    %barrier3A = arith.constant 0 : index
    tpu.barrier barrier_id(%barrier3A)
    %scan3A = arith.constant 0 : i32
    %scan3A_234 = arith.constant 50 : i32
    %scan3A_235 = arith.addi %scan3A, %scan3A_234 : i32
    %scan3A_236 = arith.constant 1 : i32
    scf.for %scan3A_383 = %scan3A to %scan3A_235 step %scan3A_236  : i32 {
      %rem3A_384 = arith.constant 3 : i32
      %rem3A_385 = arith.remsi %scan3A_383, %rem3A_384 : i32
      %eq3A = arith.constant 0 : i32
      %eq3A_386 = arith.cmpi eq, %rem3A_385, %eq3A : i32
      %convert_element_type3A_387 = arith.extui %eq3A_386 : i1 to i32
      %cond3A_388 = arith.constant 0 : i32
      %cond3A_389 = arith.cmpi ne, %convert_element_type3A_387, %cond3A_388 : i32
      scf.if %cond3A_389 {
        %mul3A_400 = arith.constant 20000 : i32
        %mul3A_401 = arith.muli %arg1, %mul3A_400 : i32
        %mul3A_402 = arith.constant 400 : i32
        %mul3A_403 = arith.muli %scan3A_383, %mul3A_402 : i32
        %add3A_404 = arith.addi %mul3A_401, %mul3A_403 : i32
        %dma_wait3A = tpu.memref_slice %arg2[%add3A_404, %mul3A_0] : memref<330000x128xf32, #tpu.memory_space<hbm>> -> memref<400x64xf32, #tpu.memory_space<hbm>>
        %dma_wait3A_405 = tpu.memref_slice %arg2[%add3A_404, %mul3A_0] : memref<330000x128xf32, #tpu.memory_space<hbm>> -> memref<400x64xf32, #tpu.memory_space<hbm>>
        tpu.wait_dma2 semaphore(%arg12 : memref<!tpu.dma_semaphore, #tpu.memory_space<semaphore_mem>>) src(%dma_wait3A_405 : memref<400x64xf32, #tpu.memory_space<hbm>>) dst(%arg6 : memref<400x64xf32, #tpu.memory_space<vmem>>)
        %jit3A_406 = arith.constant 80 : i32
        %div3A_407 = arith.divsi %add3A_404, %jit3A_406 : i32
        %sign3A_408 = arith.constant 0 : i32
        %sign3A_409 = arith.cmpi sgt, %add3A_404, %sign3A_408 : i32
        %sign3A_410 = arith.extui %sign3A_409 : i1 to i32
        %sign3A_411 = arith.constant 0 : i32
        %sign3A_412 = arith.cmpi slt, %add3A_404, %sign3A_411 : i32
        %sign3A_413 = arith.extui %sign3A_412 : i1 to i32
        %sign3A_414 = arith.subi %sign3A_410, %sign3A_413 : i32
        %sign3A_415 = arith.constant 0 : i32
        %sign3A_416 = arith.cmpi sgt, %jit3A_406, %sign3A_415 : i32
        %sign3A_417 = arith.extui %sign3A_416 : i1 to i32
        %sign3A_418 = arith.constant 0 : i32
        %sign3A_419 = arith.cmpi slt, %jit3A_406, %sign3A_418 : i32
        %sign3A_420 = arith.extui %sign3A_419 : i1 to i32
        %sign3A_421 = arith.subi %sign3A_417, %sign3A_420 : i32
        %ne3A_422 = arith.cmpi ne, %sign3A_414, %sign3A_421 : i32
        %rem3A_423 = arith.remsi %add3A_404, %jit3A_406 : i32
        %ne3A_424 = arith.constant 0 : i32
        %ne3A_425 = arith.cmpi ne, %rem3A_423, %ne3A_424 : i32
        %and3A_426 = arith.andi %ne3A_422, %ne3A_425 : i1
        %sub3A_427 = arith.constant 1 : i32
        %sub3A_428 = arith.subi %div3A_407, %sub3A_427 : i32
        %select_n3A_429 = arith.select %and3A_426, %sub3A_428, %div3A_407 : i32
        %dma_wait3A_430 = arith.constant 0 : i32
        %dma_wait3A_431 = tpu.memref_slice %arg3[%select_n3A_429, %dma_wait3A_430] : memref<4000x80xi32, #tpu.memory_space<hbm>> -> memref<5x80xi32, #tpu.memory_space<hbm>>
        %dma_wait3A_432 = arith.constant 0 : i32
        %dma_wait3A_433 = tpu.memref_slice %arg3[%select_n3A_429, %dma_wait3A_432] : memref<4000x80xi32, #tpu.memory_space<hbm>> -> memref<5x80xi32, #tpu.memory_space<hbm>>
        tpu.wait_dma2 semaphore(%arg15 : memref<!tpu.dma_semaphore, #tpu.memory_space<semaphore_mem>>) src(%dma_wait3A_433 : memref<5x80xi32, #tpu.memory_space<hbm>>) dst(%arg9 : memref<5x80xi32, #tpu.memory_space<vmem>>)
        %dma_start3A_434 = arith.constant 0 : i32
        %dma_start3A_435 = arith.constant 0 : i32
        %dma_start3A_436 = arith.constant 0 : i32
        %dma_start3A_437 = tpu.memref_slice %arg6[%dma_start3A_435, %dma_start3A_436] : memref<400x64xf32, #tpu.memory_space<vmem>> -> memref<80x64xf32, #tpu.memory_space<vmem>>
        %dma_start3A_438 = arith.constant 0 : i32
        %dma_start3A_439 = tpu.memref_slice %arg9[%dma_start3A_434, %dma_start3A_438] : memref<5x80xi32, #tpu.memory_space<vmem>> -> memref<1x80xi32, #tpu.memory_space<vmem>>
        %dma_start3A_440 = tpu.memref_squeeze %dma_start3A_439 : memref<1x80xi32, #tpu.memory_space<vmem>> -> memref<80xi32, #tpu.memory_space<vmem>>
        %dma_start3A_441 = arith.constant 0 : i32
        %dma_start3A_442 = arith.constant 0 : i32
        %dma_start3A_443 = tpu.memref_slice %arg5[%dma_start3A_441, %dma_start3A_442] : memref<10240x64xf32, #tpu.memory_space<vmem_shared>> -> memref<10240x64xf32, #tpu.memory_space<vmem_shared>>
        tpu.enqueue_indirect_dma source(%dma_start3A_437 : memref<80x64xf32, #tpu.memory_space<vmem>>) target(%dma_start3A_443 : memref<10240x64xf32, #tpu.memory_space<vmem_shared>>) offsets(%dma_start3A_440 : memref<80xi32, #tpu.memory_space<vmem>>) semaphore(%arg18 : memref<!tpu.dma_semaphore, #tpu.memory_space<semaphore_mem>>) {add = true}
        %dma_start3A_444 = arith.constant 1 : i32
        %dma_start3A_445 = arith.constant 80 : i32
        %dma_start3A_446 = arith.constant 0 : i32
        %dma_start3A_447 = tpu.memref_slice %arg6[%dma_start3A_445, %dma_start3A_446] : memref<400x64xf32, #tpu.memory_space<vmem>> -> memref<80x64xf32, #tpu.memory_space<vmem>>
        %dma_start3A_448 = arith.constant 0 : i32
        %dma_start3A_449 = tpu.memref_slice %arg9[%dma_start3A_444, %dma_start3A_448] : memref<5x80xi32, #tpu.memory_space<vmem>> -> memref<1x80xi32, #tpu.memory_space<vmem>>
        %dma_start3A_450 = tpu.memref_squeeze %dma_start3A_449 : memref<1x80xi32, #tpu.memory_space<vmem>> -> memref<80xi32, #tpu.memory_space<vmem>>
        %dma_start3A_451 = arith.constant 0 : i32
        %dma_start3A_452 = arith.constant 0 : i32
        %dma_start3A_453 = tpu.memref_slice %arg5[%dma_start3A_451, %dma_start3A_452] : memref<10240x64xf32, #tpu.memory_space<vmem_shared>> -> memref<10240x64xf32, #tpu.memory_space<vmem_shared>>
        tpu.enqueue_indirect_dma source(%dma_start3A_447 : memref<80x64xf32, #tpu.memory_space<vmem>>) target(%dma_start3A_453 : memref<10240x64xf32, #tpu.memory_space<vmem_shared>>) offsets(%dma_start3A_450 : memref<80xi32, #tpu.memory_space<vmem>>) semaphore(%arg18 : memref<!tpu.dma_semaphore, #tpu.memory_space<semaphore_mem>>) {add = true}
        %dma_start3A_454 = arith.constant 2 : i32
        %dma_start3A_455 = arith.constant 160 : i32
        %dma_start3A_456 = arith.constant 0 : i32
        %dma_start3A_457 = tpu.memref_slice %arg6[%dma_start3A_455, %dma_start3A_456] : memref<400x64xf32, #tpu.memory_space<vmem>> -> memref<80x64xf32, #tpu.memory_space<vmem>>
        %dma_start3A_458 = arith.constant 0 : i32
        %dma_start3A_459 = tpu.memref_slice %arg9[%dma_start3A_454, %dma_start3A_458] : memref<5x80xi32, #tpu.memory_space<vmem>> -> memref<1x80xi32, #tpu.memory_space<vmem>>
        %dma_start3A_460 = tpu.memref_squeeze %dma_start3A_459 : memref<1x80xi32, #tpu.memory_space<vmem>> -> memref<80xi32, #tpu.memory_space<vmem>>
        %dma_start3A_461 = arith.constant 0 : i32
        %dma_start3A_462 = arith.constant 0 : i32
        %dma_start3A_463 = tpu.memref_slice %arg5[%dma_start3A_461, %dma_start3A_462] : memref<10240x64xf32, #tpu.memory_space<vmem_shared>> -> memref<10240x64xf32, #tpu.memory_space<vmem_shared>>
        tpu.enqueue_indirect_dma source(%dma_start3A_457 : memref<80x64xf32, #tpu.memory_space<vmem>>) target(%dma_start3A_463 : memref<10240x64xf32, #tpu.memory_space<vmem_shared>>) offsets(%dma_start3A_460 : memref<80xi32, #tpu.memory_space<vmem>>) semaphore(%arg18 : memref<!tpu.dma_semaphore, #tpu.memory_space<semaphore_mem>>) {add = true}
        %dma_start3A_464 = arith.constant 3 : i32
        %dma_start3A_465 = arith.constant 240 : i32
        %dma_start3A_466 = arith.constant 0 : i32
        %dma_start3A_467 = tpu.memref_slice %arg6[%dma_start3A_465, %dma_start3A_466] : memref<400x64xf32, #tpu.memory_space<vmem>> -> memref<80x64xf32, #tpu.memory_space<vmem>>
        %dma_start3A_468 = arith.constant 0 : i32
        %dma_start3A_469 = tpu.memref_slice %arg9[%dma_start3A_464, %dma_start3A_468] : memref<5x80xi32, #tpu.memory_space<vmem>> -> memref<1x80xi32, #tpu.memory_space<vmem>>
        %dma_start3A_470 = tpu.memref_squeeze %dma_start3A_469 : memref<1x80xi32, #tpu.memory_space<vmem>> -> memref<80xi32, #tpu.memory_space<vmem>>
        %dma_start3A_471 = arith.constant 0 : i32
        %dma_start3A_472 = arith.constant 0 : i32
        %dma_start3A_473 = tpu.memref_slice %arg5[%dma_start3A_471, %dma_start3A_472] : memref<10240x64xf32, #tpu.memory_space<vmem_shared>> -> memref<10240x64xf32, #tpu.memory_space<vmem_shared>>
        tpu.enqueue_indirect_dma source(%dma_start3A_467 : memref<80x64xf32, #tpu.memory_space<vmem>>) target(%dma_start3A_473 : memref<10240x64xf32, #tpu.memory_space<vmem_shared>>) offsets(%dma_start3A_470 : memref<80xi32, #tpu.memory_space<vmem>>) semaphore(%arg18 : memref<!tpu.dma_semaphore, #tpu.memory_space<semaphore_mem>>) {add = true}
        %dma_start3A_474 = arith.constant 4 : i32
        %dma_start3A_475 = arith.constant 320 : i32
        %dma_start3A_476 = arith.constant 0 : i32
        %dma_start3A_477 = tpu.memref_slice %arg6[%dma_start3A_475, %dma_start3A_476] : memref<400x64xf32, #tpu.memory_space<vmem>> -> memref<80x64xf32, #tpu.memory_space<vmem>>
        %dma_start3A_478 = arith.constant 0 : i32
        %dma_start3A_479 = tpu.memref_slice %arg9[%dma_start3A_474, %dma_start3A_478] : memref<5x80xi32, #tpu.memory_space<vmem>> -> memref<1x80xi32, #tpu.memory_space<vmem>>
        %dma_start3A_480 = tpu.memref_squeeze %dma_start3A_479 : memref<1x80xi32, #tpu.memory_space<vmem>> -> memref<80xi32, #tpu.memory_space<vmem>>
        %dma_start3A_481 = arith.constant 0 : i32
        %dma_start3A_482 = arith.constant 0 : i32
        %dma_start3A_483 = tpu.memref_slice %arg5[%dma_start3A_481, %dma_start3A_482] : memref<10240x64xf32, #tpu.memory_space<vmem_shared>> -> memref<10240x64xf32, #tpu.memory_space<vmem_shared>>
        tpu.enqueue_indirect_dma source(%dma_start3A_477 : memref<80x64xf32, #tpu.memory_space<vmem>>) target(%dma_start3A_483 : memref<10240x64xf32, #tpu.memory_space<vmem_shared>>) offsets(%dma_start3A_480 : memref<80xi32, #tpu.memory_space<vmem>>) semaphore(%arg18 : memref<!tpu.dma_semaphore, #tpu.memory_space<semaphore_mem>>) {add = true}
        %dma_wait3A_484 = arith.constant 0 : i32
        %dma_wait3A_485 = arith.constant 0 : i32
        %dma_wait3A_486 = arith.constant 0 : i32
        %dma_wait3A_487 = tpu.memref_slice %arg6[%dma_wait3A_485, %dma_wait3A_486] : memref<400x64xf32, #tpu.memory_space<vmem>> -> memref<80x64xf32, #tpu.memory_space<vmem>>
        %dma_wait3A_488 = arith.constant 0 : i32
        %dma_wait3A_489 = tpu.memref_slice %arg9[%dma_wait3A_484, %dma_wait3A_488] : memref<5x80xi32, #tpu.memory_space<vmem>> -> memref<1x80xi32, #tpu.memory_space<vmem>>
        %dma_wait3A_490 = tpu.memref_squeeze %dma_wait3A_489 : memref<1x80xi32, #tpu.memory_space<vmem>> -> memref<80xi32, #tpu.memory_space<vmem>>
        %dma_wait3A_491 = arith.constant 0 : i32
        %dma_wait3A_492 = arith.constant 0 : i32
        %dma_wait3A_493 = tpu.memref_slice %arg5[%dma_wait3A_491, %dma_wait3A_492] : memref<10240x64xf32, #tpu.memory_space<vmem_shared>> -> memref<10240x64xf32, #tpu.memory_space<vmem_shared>>
        tpu.wait_indirect_dma semaphore(%arg18 : memref<!tpu.dma_semaphore, #tpu.memory_space<semaphore_mem>>) src(%dma_wait3A_487 : memref<80x64xf32, #tpu.memory_space<vmem>>) dst(%dma_wait3A_493 : memref<10240x64xf32, #tpu.memory_space<vmem_shared>>)
        %dma_wait3A_494 = arith.constant 1 : i32
        %dma_wait3A_495 = arith.constant 80 : i32
        %dma_wait3A_496 = arith.constant 0 : i32
        %dma_wait3A_497 = tpu.memref_slice %arg6[%dma_wait3A_495, %dma_wait3A_496] : memref<400x64xf32, #tpu.memory_space<vmem>> -> memref<80x64xf32, #tpu.memory_space<vmem>>
        %dma_wait3A_498 = arith.constant 0 : i32
        %dma_wait3A_499 = tpu.memref_slice %arg9[%dma_wait3A_494, %dma_wait3A_498] : memref<5x80xi32, #tpu.memory_space<vmem>> -> memref<1x80xi32, #tpu.memory_space<vmem>>
        %dma_wait3A_500 = tpu.memref_squeeze %dma_wait3A_499 : memref<1x80xi32, #tpu.memory_space<vmem>> -> memref<80xi32, #tpu.memory_space<vmem>>
        %dma_wait3A_501 = arith.constant 0 : i32
        %dma_wait3A_502 = arith.constant 0 : i32
        %dma_wait3A_503 = tpu.memref_slice %arg5[%dma_wait3A_501, %dma_wait3A_502] : memref<10240x64xf32, #tpu.memory_space<vmem_shared>> -> memref<10240x64xf32, #tpu.memory_space<vmem_shared>>
        tpu.wait_indirect_dma semaphore(%arg18 : memref<!tpu.dma_semaphore, #tpu.memory_space<semaphore_mem>>) src(%dma_wait3A_497 : memref<80x64xf32, #tpu.memory_space<vmem>>) dst(%dma_wait3A_503 : memref<10240x64xf32, #tpu.memory_space<vmem_shared>>)
        %dma_wait3A_504 = arith.constant 2 : i32
        %dma_wait3A_505 = arith.constant 160 : i32
        %dma_wait3A_506 = arith.constant 0 : i32
        %dma_wait3A_507 = tpu.memref_slice %arg6[%dma_wait3A_505, %dma_wait3A_506] : memref<400x64xf32, #tpu.memory_space<vmem>> -> memref<80x64xf32, #tpu.memory_space<vmem>>
        %dma_wait3A_508 = arith.constant 0 : i32
        %dma_wait3A_509 = tpu.memref_slice %arg9[%dma_wait3A_504, %dma_wait3A_508] : memref<5x80xi32, #tpu.memory_space<vmem>> -> memref<1x80xi32, #tpu.memory_space<vmem>>
        %dma_wait3A_510 = tpu.memref_squeeze %dma_wait3A_509 : memref<1x80xi32, #tpu.memory_space<vmem>> -> memref<80xi32, #tpu.memory_space<vmem>>
        %dma_wait3A_511 = arith.constant 0 : i32
        %dma_wait3A_512 = arith.constant 0 : i32
        %dma_wait3A_513 = tpu.memref_slice %arg5[%dma_wait3A_511, %dma_wait3A_512] : memref<10240x64xf32, #tpu.memory_space<vmem_shared>> -> memref<10240x64xf32, #tpu.memory_space<vmem_shared>>
        tpu.wait_indirect_dma semaphore(%arg18 : memref<!tpu.dma_semaphore, #tpu.memory_space<semaphore_mem>>) src(%dma_wait3A_507 : memref<80x64xf32, #tpu.memory_space<vmem>>) dst(%dma_wait3A_513 : memref<10240x64xf32, #tpu.memory_space<vmem_shared>>)
        %dma_wait3A_514 = arith.constant 3 : i32
        %dma_wait3A_515 = arith.constant 240 : i32
        %dma_wait3A_516 = arith.constant 0 : i32
        %dma_wait3A_517 = tpu.memref_slice %arg6[%dma_wait3A_515, %dma_wait3A_516] : memref<400x64xf32, #tpu.memory_space<vmem>> -> memref<80x64xf32, #tpu.memory_space<vmem>>
        %dma_wait3A_518 = arith.constant 0 : i32
        %dma_wait3A_519 = tpu.memref_slice %arg9[%dma_wait3A_514, %dma_wait3A_518] : memref<5x80xi32, #tpu.memory_space<vmem>> -> memref<1x80xi32, #tpu.memory_space<vmem>>
        %dma_wait3A_520 = tpu.memref_squeeze %dma_wait3A_519 : memref<1x80xi32, #tpu.memory_space<vmem>> -> memref<80xi32, #tpu.memory_space<vmem>>
        %dma_wait3A_521 = arith.constant 0 : i32
        %dma_wait3A_522 = arith.constant 0 : i32
        %dma_wait3A_523 = tpu.memref_slice %arg5[%dma_wait3A_521, %dma_wait3A_522] : memref<10240x64xf32, #tpu.memory_space<vmem_shared>> -> memref<10240x64xf32, #tpu.memory_space<vmem_shared>>
        tpu.wait_indirect_dma semaphore(%arg18 : memref<!tpu.dma_semaphore, #tpu.memory_space<semaphore_mem>>) src(%dma_wait3A_517 : memref<80x64xf32, #tpu.memory_space<vmem>>) dst(%dma_wait3A_523 : memref<10240x64xf32, #tpu.memory_space<vmem_shared>>)
        %dma_wait3A_524 = arith.constant 4 : i32
        %dma_wait3A_525 = arith.constant 320 : i32
        %dma_wait3A_526 = arith.constant 0 : i32
        %dma_wait3A_527 = tpu.memref_slice %arg6[%dma_wait3A_525, %dma_wait3A_526] : memref<400x64xf32, #tpu.memory_space<vmem>> -> memref<80x64xf32, #tpu.memory_space<vmem>>
        %dma_wait3A_528 = arith.constant 0 : i32
        %dma_wait3A_529 = tpu.memref_slice %arg9[%dma_wait3A_524, %dma_wait3A_528] : memref<5x80xi32, #tpu.memory_space<vmem>> -> memref<1x80xi32, #tpu.memory_space<vmem>>
        %dma_wait3A_530 = tpu.memref_squeeze %dma_wait3A_529 : memref<1x80xi32, #tpu.memory_space<vmem>> -> memref<80xi32, #tpu.memory_space<vmem>>
        %dma_wait3A_531 = arith.constant 0 : i32
        %dma_wait3A_532 = arith.constant 0 : i32
        %dma_wait3A_533 = tpu.memref_slice %arg5[%dma_wait3A_531, %dma_wait3A_532] : memref<10240x64xf32, #tpu.memory_space<vmem_shared>> -> memref<10240x64xf32, #tpu.memory_space<vmem_shared>>
        tpu.wait_indirect_dma semaphore(%arg18 : memref<!tpu.dma_semaphore, #tpu.memory_space<semaphore_mem>>) src(%dma_wait3A_527 : memref<80x64xf32, #tpu.memory_space<vmem>>) dst(%dma_wait3A_533 : memref<10240x64xf32, #tpu.memory_space<vmem_shared>>)
        %add3A_534 = arith.constant 3 : i32
        %add3A_535 = arith.addi %scan3A_383, %add3A_534 : i32
        %lt3A_536 = arith.constant 50 : i32
        %lt3A_537 = arith.cmpi slt, %add3A_535, %lt3A_536 : i32
        %convert_element_type3A_538 = arith.extui %lt3A_537 : i1 to i32
        %cond3A_539 = arith.constant 0 : i32
        %cond3A_540 = arith.cmpi ne, %convert_element_type3A_538, %cond3A_539 : i32
        scf.if %cond3A_540 {
          %add3A_541 = arith.constant 3 : i32
          %add3A_542 = arith.addi %scan3A_383, %add3A_541 : i32
          %mul3A_543 = arith.constant 20000 : i32
          %mul3A_544 = arith.muli %arg1, %mul3A_543 : i32
          %mul3A_545 = arith.constant 400 : i32
          %mul3A_546 = arith.muli %add3A_542, %mul3A_545 : i32
          %add3A_547 = arith.addi %mul3A_544, %mul3A_546 : i32
          %dma_start3A_548 = tpu.memref_slice %arg2[%add3A_547, %mul3A_0] : memref<330000x128xf32, #tpu.memory_space<hbm>> -> memref<400x64xf32, #tpu.memory_space<hbm>>
          %dma_start3A_549 = tpu.memref_slice %arg2[%add3A_547, %mul3A_0] : memref<330000x128xf32, #tpu.memory_space<hbm>> -> memref<400x64xf32, #tpu.memory_space<hbm>>
          tpu.enqueue_dma source(%dma_start3A_549 : memref<400x64xf32, #tpu.memory_space<hbm>>) target(%arg6 : memref<400x64xf32, #tpu.memory_space<vmem>>) target_semaphore(%arg12 : memref<!tpu.dma_semaphore, #tpu.memory_space<semaphore_mem>>)
          %jit3A_550 = arith.constant 80 : i32
          %div3A_551 = arith.divsi %add3A_547, %jit3A_550 : i32
          %sign3A_552 = arith.constant 0 : i32
          %sign3A_553 = arith.cmpi sgt, %add3A_547, %sign3A_552 : i32
          %sign3A_554 = arith.extui %sign3A_553 : i1 to i32
          %sign3A_555 = arith.constant 0 : i32
          %sign3A_556 = arith.cmpi slt, %add3A_547, %sign3A_555 : i32
          %sign3A_557 = arith.extui %sign3A_556 : i1 to i32
          %sign3A_558 = arith.subi %sign3A_554, %sign3A_557 : i32
          %sign3A_559 = arith.constant 0 : i32
          %sign3A_560 = arith.cmpi sgt, %jit3A_550, %sign3A_559 : i32
          %sign3A_561 = arith.extui %sign3A_560 : i1 to i32
          %sign3A_562 = arith.constant 0 : i32
          %sign3A_563 = arith.cmpi slt, %jit3A_550, %sign3A_562 : i32
          %sign3A_564 = arith.extui %sign3A_563 : i1 to i32
          %sign3A_565 = arith.subi %sign3A_561, %sign3A_564 : i32
          %ne3A_566 = arith.cmpi ne, %sign3A_558, %sign3A_565 : i32
          %rem3A_567 = arith.remsi %add3A_547, %jit3A_550 : i32
          %ne3A_568 = arith.constant 0 : i32
          %ne3A_569 = arith.cmpi ne, %rem3A_567, %ne3A_568 : i32
          %and3A_570 = arith.andi %ne3A_566, %ne3A_569 : i1
          %sub3A_571 = arith.constant 1 : i32
          %sub3A_572 = arith.subi %div3A_551, %sub3A_571 : i32
          %select_n3A_573 = arith.select %and3A_570, %sub3A_572, %div3A_551 : i32
          %dma_start3A_574 = arith.constant 0 : i32
          %dma_start3A_575 = tpu.memref_slice %arg3[%select_n3A_573, %dma_start3A_574] : memref<4000x80xi32, #tpu.memory_space<hbm>> -> memref<5x80xi32, #tpu.memory_space<hbm>>
          %dma_start3A_576 = arith.constant 0 : i32
          %dma_start3A_577 = tpu.memref_slice %arg3[%select_n3A_573, %dma_start3A_576] : memref<4000x80xi32, #tpu.memory_space<hbm>> -> memref<5x80xi32, #tpu.memory_space<hbm>>
          tpu.enqueue_dma source(%dma_start3A_577 : memref<5x80xi32, #tpu.memory_space<hbm>>) target(%arg9 : memref<5x80xi32, #tpu.memory_space<vmem>>) target_semaphore(%arg15 : memref<!tpu.dma_semaphore, #tpu.memory_space<semaphore_mem>>)
        } else {
        }
      } else {
      }
      %eq3A_390 = arith.constant 1 : i32
      %eq3A_391 = arith.cmpi eq, %rem3A_385, %eq3A_390 : i32
      %convert_element_type3A_392 = arith.extui %eq3A_391 : i1 to i32
      %cond3A_393 = arith.constant 0 : i32
      %cond3A_394 = arith.cmpi ne, %convert_element_type3A_392, %cond3A_393 : i32
      scf.if %cond3A_394 {
        %mul3A_400 = arith.constant 20000 : i32
        %mul3A_401 = arith.muli %arg1, %mul3A_400 : i32
        %mul3A_402 = arith.constant 400 : i32
        %mul3A_403 = arith.muli %scan3A_383, %mul3A_402 : i32
        %add3A_404 = arith.addi %mul3A_401, %mul3A_403 : i32
        %dma_wait3A = tpu.memref_slice %arg2[%add3A_404, %mul3A_0] : memref<330000x128xf32, #tpu.memory_space<hbm>> -> memref<400x64xf32, #tpu.memory_space<hbm>>
        %dma_wait3A_405 = tpu.memref_slice %arg2[%add3A_404, %mul3A_0] : memref<330000x128xf32, #tpu.memory_space<hbm>> -> memref<400x64xf32, #tpu.memory_space<hbm>>
        tpu.wait_dma2 semaphore(%arg13 : memref<!tpu.dma_semaphore, #tpu.memory_space<semaphore_mem>>) src(%dma_wait3A_405 : memref<400x64xf32, #tpu.memory_space<hbm>>) dst(%arg7 : memref<400x64xf32, #tpu.memory_space<vmem>>)
        %jit3A_406 = arith.constant 80 : i32
        %div3A_407 = arith.divsi %add3A_404, %jit3A_406 : i32
        %sign3A_408 = arith.constant 0 : i32
        %sign3A_409 = arith.cmpi sgt, %add3A_404, %sign3A_408 : i32
        %sign3A_410 = arith.extui %sign3A_409 : i1 to i32
        %sign3A_411 = arith.constant 0 : i32
        %sign3A_412 = arith.cmpi slt, %add3A_404, %sign3A_411 : i32
        %sign3A_413 = arith.extui %sign3A_412 : i1 to i32
        %sign3A_414 = arith.subi %sign3A_410, %sign3A_413 : i32
        %sign3A_415 = arith.constant 0 : i32
        %sign3A_416 = arith.cmpi sgt, %jit3A_406, %sign3A_415 : i32
        %sign3A_417 = arith.extui %sign3A_416 : i1 to i32
        %sign3A_418 = arith.constant 0 : i32
        %sign3A_419 = arith.cmpi slt, %jit3A_406, %sign3A_418 : i32
        %sign3A_420 = arith.extui %sign3A_419 : i1 to i32
        %sign3A_421 = arith.subi %sign3A_417, %sign3A_420 : i32
        %ne3A_422 = arith.cmpi ne, %sign3A_414, %sign3A_421 : i32
        %rem3A_423 = arith.remsi %add3A_404, %jit3A_406 : i32
        %ne3A_424 = arith.constant 0 : i32
        %ne3A_425 = arith.cmpi ne, %rem3A_423, %ne3A_424 : i32
        %and3A_426 = arith.andi %ne3A_422, %ne3A_425 : i1
        %sub3A_427 = arith.constant 1 : i32
        %sub3A_428 = arith.subi %div3A_407, %sub3A_427 : i32
        %select_n3A_429 = arith.select %and3A_426, %sub3A_428, %div3A_407 : i32
        %dma_wait3A_430 = arith.constant 0 : i32
        %dma_wait3A_431 = tpu.memref_slice %arg3[%select_n3A_429, %dma_wait3A_430] : memref<4000x80xi32, #tpu.memory_space<hbm>> -> memref<5x80xi32, #tpu.memory_space<hbm>>
        %dma_wait3A_432 = arith.constant 0 : i32
        %dma_wait3A_433 = tpu.memref_slice %arg3[%select_n3A_429, %dma_wait3A_432] : memref<4000x80xi32, #tpu.memory_space<hbm>> -> memref<5x80xi32, #tpu.memory_space<hbm>>
        tpu.wait_dma2 semaphore(%arg16 : memref<!tpu.dma_semaphore, #tpu.memory_space<semaphore_mem>>) src(%dma_wait3A_433 : memref<5x80xi32, #tpu.memory_space<hbm>>) dst(%arg10 : memref<5x80xi32, #tpu.memory_space<vmem>>)
        %dma_start3A_434 = arith.constant 0 : i32
        %dma_start3A_435 = arith.constant 0 : i32
        %dma_start3A_436 = arith.constant 0 : i32
        %dma_start3A_437 = tpu.memref_slice %arg7[%dma_start3A_435, %dma_start3A_436] : memref<400x64xf32, #tpu.memory_space<vmem>> -> memref<80x64xf32, #tpu.memory_space<vmem>>
        %dma_start3A_438 = arith.constant 0 : i32
        %dma_start3A_439 = tpu.memref_slice %arg10[%dma_start3A_434, %dma_start3A_438] : memref<5x80xi32, #tpu.memory_space<vmem>> -> memref<1x80xi32, #tpu.memory_space<vmem>>
        %dma_start3A_440 = tpu.memref_squeeze %dma_start3A_439 : memref<1x80xi32, #tpu.memory_space<vmem>> -> memref<80xi32, #tpu.memory_space<vmem>>
        %dma_start3A_441 = arith.constant 0 : i32
        %dma_start3A_442 = arith.constant 0 : i32
        %dma_start3A_443 = tpu.memref_slice %arg5[%dma_start3A_441, %dma_start3A_442] : memref<10240x64xf32, #tpu.memory_space<vmem_shared>> -> memref<10240x64xf32, #tpu.memory_space<vmem_shared>>
        tpu.enqueue_indirect_dma source(%dma_start3A_437 : memref<80x64xf32, #tpu.memory_space<vmem>>) target(%dma_start3A_443 : memref<10240x64xf32, #tpu.memory_space<vmem_shared>>) offsets(%dma_start3A_440 : memref<80xi32, #tpu.memory_space<vmem>>) semaphore(%arg18 : memref<!tpu.dma_semaphore, #tpu.memory_space<semaphore_mem>>) {add = true}
        %dma_start3A_444 = arith.constant 1 : i32
        %dma_start3A_445 = arith.constant 80 : i32
        %dma_start3A_446 = arith.constant 0 : i32
        %dma_start3A_447 = tpu.memref_slice %arg7[%dma_start3A_445, %dma_start3A_446] : memref<400x64xf32, #tpu.memory_space<vmem>> -> memref<80x64xf32, #tpu.memory_space<vmem>>
        %dma_start3A_448 = arith.constant 0 : i32
        %dma_start3A_449 = tpu.memref_slice %arg10[%dma_start3A_444, %dma_start3A_448] : memref<5x80xi32, #tpu.memory_space<vmem>> -> memref<1x80xi32, #tpu.memory_space<vmem>>
        %dma_start3A_450 = tpu.memref_squeeze %dma_start3A_449 : memref<1x80xi32, #tpu.memory_space<vmem>> -> memref<80xi32, #tpu.memory_space<vmem>>
        %dma_start3A_451 = arith.constant 0 : i32
        %dma_start3A_452 = arith.constant 0 : i32
        %dma_start3A_453 = tpu.memref_slice %arg5[%dma_start3A_451, %dma_start3A_452] : memref<10240x64xf32, #tpu.memory_space<vmem_shared>> -> memref<10240x64xf32, #tpu.memory_space<vmem_shared>>
        tpu.enqueue_indirect_dma source(%dma_start3A_447 : memref<80x64xf32, #tpu.memory_space<vmem>>) target(%dma_start3A_453 : memref<10240x64xf32, #tpu.memory_space<vmem_shared>>) offsets(%dma_start3A_450 : memref<80xi32, #tpu.memory_space<vmem>>) semaphore(%arg18 : memref<!tpu.dma_semaphore, #tpu.memory_space<semaphore_mem>>) {add = true}
        %dma_start3A_454 = arith.constant 2 : i32
        %dma_start3A_455 = arith.constant 160 : i32
        %dma_start3A_456 = arith.constant 0 : i32
        %dma_start3A_457 = tpu.memref_slice %arg7[%dma_start3A_455, %dma_start3A_456] : memref<400x64xf32, #tpu.memory_space<vmem>> -> memref<80x64xf32, #tpu.memory_space<vmem>>
        %dma_start3A_458 = arith.constant 0 : i32
        %dma_start3A_459 = tpu.memref_slice %arg10[%dma_start3A_454, %dma_start3A_458] : memref<5x80xi32, #tpu.memory_space<vmem>> -> memref<1x80xi32, #tpu.memory_space<vmem>>
        %dma_start3A_460 = tpu.memref_squeeze %dma_start3A_459 : memref<1x80xi32, #tpu.memory_space<vmem>> -> memref<80xi32, #tpu.memory_space<vmem>>
        %dma_start3A_461 = arith.constant 0 : i32
        %dma_start3A_462 = arith.constant 0 : i32
        %dma_start3A_463 = tpu.memref_slice %arg5[%dma_start3A_461, %dma_start3A_462] : memref<10240x64xf32, #tpu.memory_space<vmem_shared>> -> memref<10240x64xf32, #tpu.memory_space<vmem_shared>>
        tpu.enqueue_indirect_dma source(%dma_start3A_457 : memref<80x64xf32, #tpu.memory_space<vmem>>) target(%dma_start3A_463 : memref<10240x64xf32, #tpu.memory_space<vmem_shared>>) offsets(%dma_start3A_460 : memref<80xi32, #tpu.memory_space<vmem>>) semaphore(%arg18 : memref<!tpu.dma_semaphore, #tpu.memory_space<semaphore_mem>>) {add = true}
        %dma_start3A_464 = arith.constant 3 : i32
        %dma_start3A_465 = arith.constant 240 : i32
        %dma_start3A_466 = arith.constant 0 : i32
        %dma_start3A_467 = tpu.memref_slice %arg7[%dma_start3A_465, %dma_start3A_466] : memref<400x64xf32, #tpu.memory_space<vmem>> -> memref<80x64xf32, #tpu.memory_space<vmem>>
        %dma_start3A_468 = arith.constant 0 : i32
        %dma_start3A_469 = tpu.memref_slice %arg10[%dma_start3A_464, %dma_start3A_468] : memref<5x80xi32, #tpu.memory_space<vmem>> -> memref<1x80xi32, #tpu.memory_space<vmem>>
        %dma_start3A_470 = tpu.memref_squeeze %dma_start3A_469 : memref<1x80xi32, #tpu.memory_space<vmem>> -> memref<80xi32, #tpu.memory_space<vmem>>
        %dma_start3A_471 = arith.constant 0 : i32
        %dma_start3A_472 = arith.constant 0 : i32
        %dma_start3A_473 = tpu.memref_slice %arg5[%dma_start3A_471, %dma_start3A_472] : memref<10240x64xf32, #tpu.memory_space<vmem_shared>> -> memref<10240x64xf32, #tpu.memory_space<vmem_shared>>
        tpu.enqueue_indirect_dma source(%dma_start3A_467 : memref<80x64xf32, #tpu.memory_space<vmem>>) target(%dma_start3A_473 : memref<10240x64xf32, #tpu.memory_space<vmem_shared>>) offsets(%dma_start3A_470 : memref<80xi32, #tpu.memory_space<vmem>>) semaphore(%arg18 : memref<!tpu.dma_semaphore, #tpu.memory_space<semaphore_mem>>) {add = true}
        %dma_start3A_474 = arith.constant 4 : i32
        %dma_start3A_475 = arith.constant 320 : i32
        %dma_start3A_476 = arith.constant 0 : i32
        %dma_start3A_477 = tpu.memref_slice %arg7[%dma_start3A_475, %dma_start3A_476] : memref<400x64xf32, #tpu.memory_space<vmem>> -> memref<80x64xf32, #tpu.memory_space<vmem>>
        %dma_start3A_478 = arith.constant 0 : i32
        %dma_start3A_479 = tpu.memref_slice %arg10[%dma_start3A_474, %dma_start3A_478] : memref<5x80xi32, #tpu.memory_space<vmem>> -> memref<1x80xi32, #tpu.memory_space<vmem>>
        %dma_start3A_480 = tpu.memref_squeeze %dma_start3A_479 : memref<1x80xi32, #tpu.memory_space<vmem>> -> memref<80xi32, #tpu.memory_space<vmem>>
        %dma_start3A_481 = arith.constant 0 : i32
        %dma_start3A_482 = arith.constant 0 : i32
        %dma_start3A_483 = tpu.memref_slice %arg5[%dma_start3A_481, %dma_start3A_482] : memref<10240x64xf32, #tpu.memory_space<vmem_shared>> -> memref<10240x64xf32, #tpu.memory_space<vmem_shared>>
        tpu.enqueue_indirect_dma source(%dma_start3A_477 : memref<80x64xf32, #tpu.memory_space<vmem>>) target(%dma_start3A_483 : memref<10240x64xf32, #tpu.memory_space<vmem_shared>>) offsets(%dma_start3A_480 : memref<80xi32, #tpu.memory_space<vmem>>) semaphore(%arg18 : memref<!tpu.dma_semaphore, #tpu.memory_space<semaphore_mem>>) {add = true}
        %dma_wait3A_484 = arith.constant 0 : i32
        %dma_wait3A_485 = arith.constant 0 : i32
        %dma_wait3A_486 = arith.constant 0 : i32
        %dma_wait3A_487 = tpu.memref_slice %arg7[%dma_wait3A_485, %dma_wait3A_486] : memref<400x64xf32, #tpu.memory_space<vmem>> -> memref<80x64xf32, #tpu.memory_space<vmem>>
        %dma_wait3A_488 = arith.constant 0 : i32
        %dma_wait3A_489 = tpu.memref_slice %arg10[%dma_wait3A_484, %dma_wait3A_488] : memref<5x80xi32, #tpu.memory_space<vmem>> -> memref<1x80xi32, #tpu.memory_space<vmem>>
        %dma_wait3A_490 = tpu.memref_squeeze %dma_wait3A_489 : memref<1x80xi32, #tpu.memory_space<vmem>> -> memref<80xi32, #tpu.memory_space<vmem>>
        %dma_wait3A_491 = arith.constant 0 : i32
        %dma_wait3A_492 = arith.constant 0 : i32
        %dma_wait3A_493 = tpu.memref_slice %arg5[%dma_wait3A_491, %dma_wait3A_492] : memref<10240x64xf32, #tpu.memory_space<vmem_shared>> -> memref<10240x64xf32, #tpu.memory_space<vmem_shared>>
        tpu.wait_indirect_dma semaphore(%arg18 : memref<!tpu.dma_semaphore, #tpu.memory_space<semaphore_mem>>) src(%dma_wait3A_487 : memref<80x64xf32, #tpu.memory_space<vmem>>) dst(%dma_wait3A_493 : memref<10240x64xf32, #tpu.memory_space<vmem_shared>>)
        %dma_wait3A_494 = arith.constant 1 : i32
        %dma_wait3A_495 = arith.constant 80 : i32
        %dma_wait3A_496 = arith.constant 0 : i32
        %dma_wait3A_497 = tpu.memref_slice %arg7[%dma_wait3A_495, %dma_wait3A_496] : memref<400x64xf32, #tpu.memory_space<vmem>> -> memref<80x64xf32, #tpu.memory_space<vmem>>
        %dma_wait3A_498 = arith.constant 0 : i32
        %dma_wait3A_499 = tpu.memref_slice %arg10[%dma_wait3A_494, %dma_wait3A_498] : memref<5x80xi32, #tpu.memory_space<vmem>> -> memref<1x80xi32, #tpu.memory_space<vmem>>
        %dma_wait3A_500 = tpu.memref_squeeze %dma_wait3A_499 : memref<1x80xi32, #tpu.memory_space<vmem>> -> memref<80xi32, #tpu.memory_space<vmem>>
        %dma_wait3A_501 = arith.constant 0 : i32
        %dma_wait3A_502 = arith.constant 0 : i32
        %dma_wait3A_503 = tpu.memref_slice %arg5[%dma_wait3A_501, %dma_wait3A_502] : memref<10240x64xf32, #tpu.memory_space<vmem_shared>> -> memref<10240x64xf32, #tpu.memory_space<vmem_shared>>
        tpu.wait_indirect_dma semaphore(%arg18 : memref<!tpu.dma_semaphore, #tpu.memory_space<semaphore_mem>>) src(%dma_wait3A_497 : memref<80x64xf32, #tpu.memory_space<vmem>>) dst(%dma_wait3A_503 : memref<10240x64xf32, #tpu.memory_space<vmem_shared>>)
        %dma_wait3A_504 = arith.constant 2 : i32
        %dma_wait3A_505 = arith.constant 160 : i32
        %dma_wait3A_506 = arith.constant 0 : i32
        %dma_wait3A_507 = tpu.memref_slice %arg7[%dma_wait3A_505, %dma_wait3A_506] : memref<400x64xf32, #tpu.memory_space<vmem>> -> memref<80x64xf32, #tpu.memory_space<vmem>>
        %dma_wait3A_508 = arith.constant 0 : i32
        %dma_wait3A_509 = tpu.memref_slice %arg10[%dma_wait3A_504, %dma_wait3A_508] : memref<5x80xi32, #tpu.memory_space<vmem>> -> memref<1x80xi32, #tpu.memory_space<vmem>>
        %dma_wait3A_510 = tpu.memref_squeeze %dma_wait3A_509 : memref<1x80xi32, #tpu.memory_space<vmem>> -> memref<80xi32, #tpu.memory_space<vmem>>
        %dma_wait3A_511 = arith.constant 0 : i32
        %dma_wait3A_512 = arith.constant 0 : i32
        %dma_wait3A_513 = tpu.memref_slice %arg5[%dma_wait3A_511, %dma_wait3A_512] : memref<10240x64xf32, #tpu.memory_space<vmem_shared>> -> memref<10240x64xf32, #tpu.memory_space<vmem_shared>>
        tpu.wait_indirect_dma semaphore(%arg18 : memref<!tpu.dma_semaphore, #tpu.memory_space<semaphore_mem>>) src(%dma_wait3A_507 : memref<80x64xf32, #tpu.memory_space<vmem>>) dst(%dma_wait3A_513 : memref<10240x64xf32, #tpu.memory_space<vmem_shared>>)
        %dma_wait3A_514 = arith.constant 3 : i32
        %dma_wait3A_515 = arith.constant 240 : i32
        %dma_wait3A_516 = arith.constant 0 : i32
        %dma_wait3A_517 = tpu.memref_slice %arg7[%dma_wait3A_515, %dma_wait3A_516] : memref<400x64xf32, #tpu.memory_space<vmem>> -> memref<80x64xf32, #tpu.memory_space<vmem>>
        %dma_wait3A_518 = arith.constant 0 : i32
        %dma_wait3A_519 = tpu.memref_slice %arg10[%dma_wait3A_514, %dma_wait3A_518] : memref<5x80xi32, #tpu.memory_space<vmem>> -> memref<1x80xi32, #tpu.memory_space<vmem>>
        %dma_wait3A_520 = tpu.memref_squeeze %dma_wait3A_519 : memref<1x80xi32, #tpu.memory_space<vmem>> -> memref<80xi32, #tpu.memory_space<vmem>>
        %dma_wait3A_521 = arith.constant 0 : i32
        %dma_wait3A_522 = arith.constant 0 : i32
        %dma_wait3A_523 = tpu.memref_slice %arg5[%dma_wait3A_521, %dma_wait3A_522] : memref<10240x64xf32, #tpu.memory_space<vmem_shared>> -> memref<10240x64xf32, #tpu.memory_space<vmem_shared>>
        tpu.wait_indirect_dma semaphore(%arg18 : memref<!tpu.dma_semaphore, #tpu.memory_space<semaphore_mem>>) src(%dma_wait3A_517 : memref<80x64xf32, #tpu.memory_space<vmem>>) dst(%dma_wait3A_523 : memref<10240x64xf32, #tpu.memory_space<vmem_shared>>)
        %dma_wait3A_524 = arith.constant 4 : i32
        %dma_wait3A_525 = arith.constant 320 : i32
        %dma_wait3A_526 = arith.constant 0 : i32
        %dma_wait3A_527 = tpu.memref_slice %arg7[%dma_wait3A_525, %dma_wait3A_526] : memref<400x64xf32, #tpu.memory_space<vmem>> -> memref<80x64xf32, #tpu.memory_space<vmem>>
        %dma_wait3A_528 = arith.constant 0 : i32
        %dma_wait3A_529 = tpu.memref_slice %arg10[%dma_wait3A_524, %dma_wait3A_528] : memref<5x80xi32, #tpu.memory_space<vmem>> -> memref<1x80xi32, #tpu.memory_space<vmem>>
        %dma_wait3A_530 = tpu.memref_squeeze %dma_wait3A_529 : memref<1x80xi32, #tpu.memory_space<vmem>> -> memref<80xi32, #tpu.memory_space<vmem>>
        %dma_wait3A_531 = arith.constant 0 : i32
        %dma_wait3A_532 = arith.constant 0 : i32
        %dma_wait3A_533 = tpu.memref_slice %arg5[%dma_wait3A_531, %dma_wait3A_532] : memref<10240x64xf32, #tpu.memory_space<vmem_shared>> -> memref<10240x64xf32, #tpu.memory_space<vmem_shared>>
        tpu.wait_indirect_dma semaphore(%arg18 : memref<!tpu.dma_semaphore, #tpu.memory_space<semaphore_mem>>) src(%dma_wait3A_527 : memref<80x64xf32, #tpu.memory_space<vmem>>) dst(%dma_wait3A_533 : memref<10240x64xf32, #tpu.memory_space<vmem_shared>>)
        %add3A_534 = arith.constant 3 : i32
        %add3A_535 = arith.addi %scan3A_383, %add3A_534 : i32
        %lt3A_536 = arith.constant 50 : i32
        %lt3A_537 = arith.cmpi slt, %add3A_535, %lt3A_536 : i32
        %convert_element_type3A_538 = arith.extui %lt3A_537 : i1 to i32
        %cond3A_539 = arith.constant 0 : i32
        %cond3A_540 = arith.cmpi ne, %convert_element_type3A_538, %cond3A_539 : i32
        scf.if %cond3A_540 {
          %add3A_541 = arith.constant 3 : i32
          %add3A_542 = arith.addi %scan3A_383, %add3A_541 : i32
          %mul3A_543 = arith.constant 20000 : i32
          %mul3A_544 = arith.muli %arg1, %mul3A_543 : i32
          %mul3A_545 = arith.constant 400 : i32
          %mul3A_546 = arith.muli %add3A_542, %mul3A_545 : i32
          %add3A_547 = arith.addi %mul3A_544, %mul3A_546 : i32
          %dma_start3A_548 = tpu.memref_slice %arg2[%add3A_547, %mul3A_0] : memref<330000x128xf32, #tpu.memory_space<hbm>> -> memref<400x64xf32, #tpu.memory_space<hbm>>
          %dma_start3A_549 = tpu.memref_slice %arg2[%add3A_547, %mul3A_0] : memref<330000x128xf32, #tpu.memory_space<hbm>> -> memref<400x64xf32, #tpu.memory_space<hbm>>
          tpu.enqueue_dma source(%dma_start3A_549 : memref<400x64xf32, #tpu.memory_space<hbm>>) target(%arg7 : memref<400x64xf32, #tpu.memory_space<vmem>>) target_semaphore(%arg13 : memref<!tpu.dma_semaphore, #tpu.memory_space<semaphore_mem>>)
          %jit3A_550 = arith.constant 80 : i32
          %div3A_551 = arith.divsi %add3A_547, %jit3A_550 : i32
          %sign3A_552 = arith.constant 0 : i32
          %sign3A_553 = arith.cmpi sgt, %add3A_547, %sign3A_552 : i32
          %sign3A_554 = arith.extui %sign3A_553 : i1 to i32
          %sign3A_555 = arith.constant 0 : i32
          %sign3A_556 = arith.cmpi slt, %add3A_547, %sign3A_555 : i32
          %sign3A_557 = arith.extui %sign3A_556 : i1 to i32
          %sign3A_558 = arith.subi %sign3A_554, %sign3A_557 : i32
          %sign3A_559 = arith.constant 0 : i32
          %sign3A_560 = arith.cmpi sgt, %jit3A_550, %sign3A_559 : i32
          %sign3A_561 = arith.extui %sign3A_560 : i1 to i32
          %sign3A_562 = arith.constant 0 : i32
          %sign3A_563 = arith.cmpi slt, %jit3A_550, %sign3A_562 : i32
          %sign3A_564 = arith.extui %sign3A_563 : i1 to i32
          %sign3A_565 = arith.subi %sign3A_561, %sign3A_564 : i32
          %ne3A_566 = arith.cmpi ne, %sign3A_558, %sign3A_565 : i32
          %rem3A_567 = arith.remsi %add3A_547, %jit3A_550 : i32
          %ne3A_568 = arith.constant 0 : i32
          %ne3A_569 = arith.cmpi ne, %rem3A_567, %ne3A_568 : i32
          %and3A_570 = arith.andi %ne3A_566, %ne3A_569 : i1
          %sub3A_571 = arith.constant 1 : i32
          %sub3A_572 = arith.subi %div3A_551, %sub3A_571 : i32
          %select_n3A_573 = arith.select %and3A_570, %sub3A_572, %div3A_551 : i32
          %dma_start3A_574 = arith.constant 0 : i32
          %dma_start3A_575 = tpu.memref_slice %arg3[%select_n3A_573, %dma_start3A_574] : memref<4000x80xi32, #tpu.memory_space<hbm>> -> memref<5x80xi32, #tpu.memory_space<hbm>>
          %dma_start3A_576 = arith.constant 0 : i32
          %dma_start3A_577 = tpu.memref_slice %arg3[%select_n3A_573, %dma_start3A_576] : memref<4000x80xi32, #tpu.memory_space<hbm>> -> memref<5x80xi32, #tpu.memory_space<hbm>>
          tpu.enqueue_dma source(%dma_start3A_577 : memref<5x80xi32, #tpu.memory_space<hbm>>) target(%arg10 : memref<5x80xi32, #tpu.memory_space<vmem>>) target_semaphore(%arg16 : memref<!tpu.dma_semaphore, #tpu.memory_space<semaphore_mem>>)
        } else {
        }
      } else {
      }
      %eq3A_395 = arith.constant 2 : i32
      %eq3A_396 = arith.cmpi eq, %rem3A_385, %eq3A_395 : i32
      %convert_element_type3A_397 = arith.extui %eq3A_396 : i1 to i32
      %cond3A_398 = arith.constant 0 : i32
      %cond3A_399 = arith.cmpi ne, %convert_element_type3A_397, %cond3A_398 : i32
      scf.if %cond3A_399 {
        %mul3A_400 = arith.constant 20000 : i32
        %mul3A_401 = arith.muli %arg1, %mul3A_400 : i32
        %mul3A_402 = arith.constant 400 : i32
        %mul3A_403 = arith.muli %scan3A_383, %mul3A_402 : i32
        %add3A_404 = arith.addi %mul3A_401, %mul3A_403 : i32
        %dma_wait3A = tpu.memref_slice %arg2[%add3A_404, %mul3A_0] : memref<330000x128xf32, #tpu.memory_space<hbm>> -> memref<400x64xf32, #tpu.memory_space<hbm>>
        %dma_wait3A_405 = tpu.memref_slice %arg2[%add3A_404, %mul3A_0] : memref<330000x128xf32, #tpu.memory_space<hbm>> -> memref<400x64xf32, #tpu.memory_space<hbm>>
        tpu.wait_dma2 semaphore(%arg14 : memref<!tpu.dma_semaphore, #tpu.memory_space<semaphore_mem>>) src(%dma_wait3A_405 : memref<400x64xf32, #tpu.memory_space<hbm>>) dst(%arg8 : memref<400x64xf32, #tpu.memory_space<vmem>>)
        %jit3A_406 = arith.constant 80 : i32
        %div3A_407 = arith.divsi %add3A_404, %jit3A_406 : i32
        %sign3A_408 = arith.constant 0 : i32
        %sign3A_409 = arith.cmpi sgt, %add3A_404, %sign3A_408 : i32
        %sign3A_410 = arith.extui %sign3A_409 : i1 to i32
        %sign3A_411 = arith.constant 0 : i32
        %sign3A_412 = arith.cmpi slt, %add3A_404, %sign3A_411 : i32
        %sign3A_413 = arith.extui %sign3A_412 : i1 to i32
        %sign3A_414 = arith.subi %sign3A_410, %sign3A_413 : i32
        %sign3A_415 = arith.constant 0 : i32
        %sign3A_416 = arith.cmpi sgt, %jit3A_406, %sign3A_415 : i32
        %sign3A_417 = arith.extui %sign3A_416 : i1 to i32
        %sign3A_418 = arith.constant 0 : i32
        %sign3A_419 = arith.cmpi slt, %jit3A_406, %sign3A_418 : i32
        %sign3A_420 = arith.extui %sign3A_419 : i1 to i32
        %sign3A_421 = arith.subi %sign3A_417, %sign3A_420 : i32
        %ne3A_422 = arith.cmpi ne, %sign3A_414, %sign3A_421 : i32
        %rem3A_423 = arith.remsi %add3A_404, %jit3A_406 : i32
        %ne3A_424 = arith.constant 0 : i32
        %ne3A_425 = arith.cmpi ne, %rem3A_423, %ne3A_424 : i32
        %and3A_426 = arith.andi %ne3A_422, %ne3A_425 : i1
        %sub3A_427 = arith.constant 1 : i32
        %sub3A_428 = arith.subi %div3A_407, %sub3A_427 : i32
        %select_n3A_429 = arith.select %and3A_426, %sub3A_428, %div3A_407 : i32
        %dma_wait3A_430 = arith.constant 0 : i32
        %dma_wait3A_431 = tpu.memref_slice %arg3[%select_n3A_429, %dma_wait3A_430] : memref<4000x80xi32, #tpu.memory_space<hbm>> -> memref<5x80xi32, #tpu.memory_space<hbm>>
        %dma_wait3A_432 = arith.constant 0 : i32
        %dma_wait3A_433 = tpu.memref_slice %arg3[%select_n3A_429, %dma_wait3A_432] : memref<4000x80xi32, #tpu.memory_space<hbm>> -> memref<5x80xi32, #tpu.memory_space<hbm>>
        tpu.wait_dma2 semaphore(%arg17 : memref<!tpu.dma_semaphore, #tpu.memory_space<semaphore_mem>>) src(%dma_wait3A_433 : memref<5x80xi32, #tpu.memory_space<hbm>>) dst(%arg11 : memref<5x80xi32, #tpu.memory_space<vmem>>)
        %dma_start3A_434 = arith.constant 0 : i32
        %dma_start3A_435 = arith.constant 0 : i32
        %dma_start3A_436 = arith.constant 0 : i32
        %dma_start3A_437 = tpu.memref_slice %arg8[%dma_start3A_435, %dma_start3A_436] : memref<400x64xf32, #tpu.memory_space<vmem>> -> memref<80x64xf32, #tpu.memory_space<vmem>>
        %dma_start3A_438 = arith.constant 0 : i32
        %dma_start3A_439 = tpu.memref_slice %arg11[%dma_start3A_434, %dma_start3A_438] : memref<5x80xi32, #tpu.memory_space<vmem>> -> memref<1x80xi32, #tpu.memory_space<vmem>>
        %dma_start3A_440 = tpu.memref_squeeze %dma_start3A_439 : memref<1x80xi32, #tpu.memory_space<vmem>> -> memref<80xi32, #tpu.memory_space<vmem>>
        %dma_start3A_441 = arith.constant 0 : i32
        %dma_start3A_442 = arith.constant 0 : i32
        %dma_start3A_443 = tpu.memref_slice %arg5[%dma_start3A_441, %dma_start3A_442] : memref<10240x64xf32, #tpu.memory_space<vmem_shared>> -> memref<10240x64xf32, #tpu.memory_space<vmem_shared>>
        tpu.enqueue_indirect_dma source(%dma_start3A_437 : memref<80x64xf32, #tpu.memory_space<vmem>>) target(%dma_start3A_443 : memref<10240x64xf32, #tpu.memory_space<vmem_shared>>) offsets(%dma_start3A_440 : memref<80xi32, #tpu.memory_space<vmem>>) semaphore(%arg18 : memref<!tpu.dma_semaphore, #tpu.memory_space<semaphore_mem>>) {add = true}
        %dma_start3A_444 = arith.constant 1 : i32
        %dma_start3A_445 = arith.constant 80 : i32
        %dma_start3A_446 = arith.constant 0 : i32
        %dma_start3A_447 = tpu.memref_slice %arg8[%dma_start3A_445, %dma_start3A_446] : memref<400x64xf32, #tpu.memory_space<vmem>> -> memref<80x64xf32, #tpu.memory_space<vmem>>
        %dma_start3A_448 = arith.constant 0 : i32
        %dma_start3A_449 = tpu.memref_slice %arg11[%dma_start3A_444, %dma_start3A_448] : memref<5x80xi32, #tpu.memory_space<vmem>> -> memref<1x80xi32, #tpu.memory_space<vmem>>
        %dma_start3A_450 = tpu.memref_squeeze %dma_start3A_449 : memref<1x80xi32, #tpu.memory_space<vmem>> -> memref<80xi32, #tpu.memory_space<vmem>>
        %dma_start3A_451 = arith.constant 0 : i32
        %dma_start3A_452 = arith.constant 0 : i32
        %dma_start3A_453 = tpu.memref_slice %arg5[%dma_start3A_451, %dma_start3A_452] : memref<10240x64xf32, #tpu.memory_space<vmem_shared>> -> memref<10240x64xf32, #tpu.memory_space<vmem_shared>>
        tpu.enqueue_indirect_dma source(%dma_start3A_447 : memref<80x64xf32, #tpu.memory_space<vmem>>) target(%dma_start3A_453 : memref<10240x64xf32, #tpu.memory_space<vmem_shared>>) offsets(%dma_start3A_450 : memref<80xi32, #tpu.memory_space<vmem>>) semaphore(%arg18 : memref<!tpu.dma_semaphore, #tpu.memory_space<semaphore_mem>>) {add = true}
        %dma_start3A_454 = arith.constant 2 : i32
        %dma_start3A_455 = arith.constant 160 : i32
        %dma_start3A_456 = arith.constant 0 : i32
        %dma_start3A_457 = tpu.memref_slice %arg8[%dma_start3A_455, %dma_start3A_456] : memref<400x64xf32, #tpu.memory_space<vmem>> -> memref<80x64xf32, #tpu.memory_space<vmem>>
        %dma_start3A_458 = arith.constant 0 : i32
        %dma_start3A_459 = tpu.memref_slice %arg11[%dma_start3A_454, %dma_start3A_458] : memref<5x80xi32, #tpu.memory_space<vmem>> -> memref<1x80xi32, #tpu.memory_space<vmem>>
        %dma_start3A_460 = tpu.memref_squeeze %dma_start3A_459 : memref<1x80xi32, #tpu.memory_space<vmem>> -> memref<80xi32, #tpu.memory_space<vmem>>
        %dma_start3A_461 = arith.constant 0 : i32
        %dma_start3A_462 = arith.constant 0 : i32
        %dma_start3A_463 = tpu.memref_slice %arg5[%dma_start3A_461, %dma_start3A_462] : memref<10240x64xf32, #tpu.memory_space<vmem_shared>> -> memref<10240x64xf32, #tpu.memory_space<vmem_shared>>
        tpu.enqueue_indirect_dma source(%dma_start3A_457 : memref<80x64xf32, #tpu.memory_space<vmem>>) target(%dma_start3A_463 : memref<10240x64xf32, #tpu.memory_space<vmem_shared>>) offsets(%dma_start3A_460 : memref<80xi32, #tpu.memory_space<vmem>>) semaphore(%arg18 : memref<!tpu.dma_semaphore, #tpu.memory_space<semaphore_mem>>) {add = true}
        %dma_start3A_464 = arith.constant 3 : i32
        %dma_start3A_465 = arith.constant 240 : i32
        %dma_start3A_466 = arith.constant 0 : i32
        %dma_start3A_467 = tpu.memref_slice %arg8[%dma_start3A_465, %dma_start3A_466] : memref<400x64xf32, #tpu.memory_space<vmem>> -> memref<80x64xf32, #tpu.memory_space<vmem>>
        %dma_start3A_468 = arith.constant 0 : i32
        %dma_start3A_469 = tpu.memref_slice %arg11[%dma_start3A_464, %dma_start3A_468] : memref<5x80xi32, #tpu.memory_space<vmem>> -> memref<1x80xi32, #tpu.memory_space<vmem>>
        %dma_start3A_470 = tpu.memref_squeeze %dma_start3A_469 : memref<1x80xi32, #tpu.memory_space<vmem>> -> memref<80xi32, #tpu.memory_space<vmem>>
        %dma_start3A_471 = arith.constant 0 : i32
        %dma_start3A_472 = arith.constant 0 : i32
        %dma_start3A_473 = tpu.memref_slice %arg5[%dma_start3A_471, %dma_start3A_472] : memref<10240x64xf32, #tpu.memory_space<vmem_shared>> -> memref<10240x64xf32, #tpu.memory_space<vmem_shared>>
        tpu.enqueue_indirect_dma source(%dma_start3A_467 : memref<80x64xf32, #tpu.memory_space<vmem>>) target(%dma_start3A_473 : memref<10240x64xf32, #tpu.memory_space<vmem_shared>>) offsets(%dma_start3A_470 : memref<80xi32, #tpu.memory_space<vmem>>) semaphore(%arg18 : memref<!tpu.dma_semaphore, #tpu.memory_space<semaphore_mem>>) {add = true}
        %dma_start3A_474 = arith.constant 4 : i32
        %dma_start3A_475 = arith.constant 320 : i32
        %dma_start3A_476 = arith.constant 0 : i32
        %dma_start3A_477 = tpu.memref_slice %arg8[%dma_start3A_475, %dma_start3A_476] : memref<400x64xf32, #tpu.memory_space<vmem>> -> memref<80x64xf32, #tpu.memory_space<vmem>>
        %dma_start3A_478 = arith.constant 0 : i32
        %dma_start3A_479 = tpu.memref_slice %arg11[%dma_start3A_474, %dma_start3A_478] : memref<5x80xi32, #tpu.memory_space<vmem>> -> memref<1x80xi32, #tpu.memory_space<vmem>>
        %dma_start3A_480 = tpu.memref_squeeze %dma_start3A_479 : memref<1x80xi32, #tpu.memory_space<vmem>> -> memref<80xi32, #tpu.memory_space<vmem>>
        %dma_start3A_481 = arith.constant 0 : i32
        %dma_start3A_482 = arith.constant 0 : i32
        %dma_start3A_483 = tpu.memref_slice %arg5[%dma_start3A_481, %dma_start3A_482] : memref<10240x64xf32, #tpu.memory_space<vmem_shared>> -> memref<10240x64xf32, #tpu.memory_space<vmem_shared>>
        tpu.enqueue_indirect_dma source(%dma_start3A_477 : memref<80x64xf32, #tpu.memory_space<vmem>>) target(%dma_start3A_483 : memref<10240x64xf32, #tpu.memory_space<vmem_shared>>) offsets(%dma_start3A_480 : memref<80xi32, #tpu.memory_space<vmem>>) semaphore(%arg18 : memref<!tpu.dma_semaphore, #tpu.memory_space<semaphore_mem>>) {add = true}
        %dma_wait3A_484 = arith.constant 0 : i32
        %dma_wait3A_485 = arith.constant 0 : i32
        %dma_wait3A_486 = arith.constant 0 : i32
        %dma_wait3A_487 = tpu.memref_slice %arg8[%dma_wait3A_485, %dma_wait3A_486] : memref<400x64xf32, #tpu.memory_space<vmem>> -> memref<80x64xf32, #tpu.memory_space<vmem>>
        %dma_wait3A_488 = arith.constant 0 : i32
        %dma_wait3A_489 = tpu.memref_slice %arg11[%dma_wait3A_484, %dma_wait3A_488] : memref<5x80xi32, #tpu.memory_space<vmem>> -> memref<1x80xi32, #tpu.memory_space<vmem>>
        %dma_wait3A_490 = tpu.memref_squeeze %dma_wait3A_489 : memref<1x80xi32, #tpu.memory_space<vmem>> -> memref<80xi32, #tpu.memory_space<vmem>>
        %dma_wait3A_491 = arith.constant 0 : i32
        %dma_wait3A_492 = arith.constant 0 : i32
        %dma_wait3A_493 = tpu.memref_slice %arg5[%dma_wait3A_491, %dma_wait3A_492] : memref<10240x64xf32, #tpu.memory_space<vmem_shared>> -> memref<10240x64xf32, #tpu.memory_space<vmem_shared>>
        tpu.wait_indirect_dma semaphore(%arg18 : memref<!tpu.dma_semaphore, #tpu.memory_space<semaphore_mem>>) src(%dma_wait3A_487 : memref<80x64xf32, #tpu.memory_space<vmem>>) dst(%dma_wait3A_493 : memref<10240x64xf32, #tpu.memory_space<vmem_shared>>)
        %dma_wait3A_494 = arith.constant 1 : i32
        %dma_wait3A_495 = arith.constant 80 : i32
        %dma_wait3A_496 = arith.constant 0 : i32
        %dma_wait3A_497 = tpu.memref_slice %arg8[%dma_wait3A_495, %dma_wait3A_496] : memref<400x64xf32, #tpu.memory_space<vmem>> -> memref<80x64xf32, #tpu.memory_space<vmem>>
        %dma_wait3A_498 = arith.constant 0 : i32
        %dma_wait3A_499 = tpu.memref_slice %arg11[%dma_wait3A_494, %dma_wait3A_498] : memref<5x80xi32, #tpu.memory_space<vmem>> -> memref<1x80xi32, #tpu.memory_space<vmem>>
        %dma_wait3A_500 = tpu.memref_squeeze %dma_wait3A_499 : memref<1x80xi32, #tpu.memory_space<vmem>> -> memref<80xi32, #tpu.memory_space<vmem>>
        %dma_wait3A_501 = arith.constant 0 : i32
        %dma_wait3A_502 = arith.constant 0 : i32
        %dma_wait3A_503 = tpu.memref_slice %arg5[%dma_wait3A_501, %dma_wait3A_502] : memref<10240x64xf32, #tpu.memory_space<vmem_shared>> -> memref<10240x64xf32, #tpu.memory_space<vmem_shared>>
        tpu.wait_indirect_dma semaphore(%arg18 : memref<!tpu.dma_semaphore, #tpu.memory_space<semaphore_mem>>) src(%dma_wait3A_497 : memref<80x64xf32, #tpu.memory_space<vmem>>) dst(%dma_wait3A_503 : memref<10240x64xf32, #tpu.memory_space<vmem_shared>>)
        %dma_wait3A_504 = arith.constant 2 : i32
        %dma_wait3A_505 = arith.constant 160 : i32
        %dma_wait3A_506 = arith.constant 0 : i32
        %dma_wait3A_507 = tpu.memref_slice %arg8[%dma_wait3A_505, %dma_wait3A_506] : memref<400x64xf32, #tpu.memory_space<vmem>> -> memref<80x64xf32, #tpu.memory_space<vmem>>
        %dma_wait3A_508 = arith.constant 0 : i32
        %dma_wait3A_509 = tpu.memref_slice %arg11[%dma_wait3A_504, %dma_wait3A_508] : memref<5x80xi32, #tpu.memory_space<vmem>> -> memref<1x80xi32, #tpu.memory_space<vmem>>
        %dma_wait3A_510 = tpu.memref_squeeze %dma_wait3A_509 : memref<1x80xi32, #tpu.memory_space<vmem>> -> memref<80xi32, #tpu.memory_space<vmem>>
        %dma_wait3A_511 = arith.constant 0 : i32
        %dma_wait3A_512 = arith.constant 0 : i32
        %dma_wait3A_513 = tpu.memref_slice %arg5[%dma_wait3A_511, %dma_wait3A_512] : memref<10240x64xf32, #tpu.memory_space<vmem_shared>> -> memref<10240x64xf32, #tpu.memory_space<vmem_shared>>
        tpu.wait_indirect_dma semaphore(%arg18 : memref<!tpu.dma_semaphore, #tpu.memory_space<semaphore_mem>>) src(%dma_wait3A_507 : memref<80x64xf32, #tpu.memory_space<vmem>>) dst(%dma_wait3A_513 : memref<10240x64xf32, #tpu.memory_space<vmem_shared>>)
        %dma_wait3A_514 = arith.constant 3 : i32
        %dma_wait3A_515 = arith.constant 240 : i32
        %dma_wait3A_516 = arith.constant 0 : i32
        %dma_wait3A_517 = tpu.memref_slice %arg8[%dma_wait3A_515, %dma_wait3A_516] : memref<400x64xf32, #tpu.memory_space<vmem>> -> memref<80x64xf32, #tpu.memory_space<vmem>>
        %dma_wait3A_518 = arith.constant 0 : i32
        %dma_wait3A_519 = tpu.memref_slice %arg11[%dma_wait3A_514, %dma_wait3A_518] : memref<5x80xi32, #tpu.memory_space<vmem>> -> memref<1x80xi32, #tpu.memory_space<vmem>>
        %dma_wait3A_520 = tpu.memref_squeeze %dma_wait3A_519 : memref<1x80xi32, #tpu.memory_space<vmem>> -> memref<80xi32, #tpu.memory_space<vmem>>
        %dma_wait3A_521 = arith.constant 0 : i32
        %dma_wait3A_522 = arith.constant 0 : i32
        %dma_wait3A_523 = tpu.memref_slice %arg5[%dma_wait3A_521, %dma_wait3A_522] : memref<10240x64xf32, #tpu.memory_space<vmem_shared>> -> memref<10240x64xf32, #tpu.memory_space<vmem_shared>>
        tpu.wait_indirect_dma semaphore(%arg18 : memref<!tpu.dma_semaphore, #tpu.memory_space<semaphore_mem>>) src(%dma_wait3A_517 : memref<80x64xf32, #tpu.memory_space<vmem>>) dst(%dma_wait3A_523 : memref<10240x64xf32, #tpu.memory_space<vmem_shared>>)
        %dma_wait3A_524 = arith.constant 4 : i32
        %dma_wait3A_525 = arith.constant 320 : i32
        %dma_wait3A_526 = arith.constant 0 : i32
        %dma_wait3A_527 = tpu.memref_slice %arg8[%dma_wait3A_525, %dma_wait3A_526] : memref<400x64xf32, #tpu.memory_space<vmem>> -> memref<80x64xf32, #tpu.memory_space<vmem>>
        %dma_wait3A_528 = arith.constant 0 : i32
        %dma_wait3A_529 = tpu.memref_slice %arg11[%dma_wait3A_524, %dma_wait3A_528] : memref<5x80xi32, #tpu.memory_space<vmem>> -> memref<1x80xi32, #tpu.memory_space<vmem>>
        %dma_wait3A_530 = tpu.memref_squeeze %dma_wait3A_529 : memref<1x80xi32, #tpu.memory_space<vmem>> -> memref<80xi32, #tpu.memory_space<vmem>>
        %dma_wait3A_531 = arith.constant 0 : i32
        %dma_wait3A_532 = arith.constant 0 : i32
        %dma_wait3A_533 = tpu.memref_slice %arg5[%dma_wait3A_531, %dma_wait3A_532] : memref<10240x64xf32, #tpu.memory_space<vmem_shared>> -> memref<10240x64xf32, #tpu.memory_space<vmem_shared>>
        tpu.wait_indirect_dma semaphore(%arg18 : memref<!tpu.dma_semaphore, #tpu.memory_space<semaphore_mem>>) src(%dma_wait3A_527 : memref<80x64xf32, #tpu.memory_space<vmem>>) dst(%dma_wait3A_533 : memref<10240x64xf32, #tpu.memory_space<vmem_shared>>)
        %add3A_534 = arith.constant 3 : i32
        %add3A_535 = arith.addi %scan3A_383, %add3A_534 : i32
        %lt3A_536 = arith.constant 50 : i32
        %lt3A_537 = arith.cmpi slt, %add3A_535, %lt3A_536 : i32
        %convert_element_type3A_538 = arith.extui %lt3A_537 : i1 to i32
        %cond3A_539 = arith.constant 0 : i32
        %cond3A_540 = arith.cmpi ne, %convert_element_type3A_538, %cond3A_539 : i32
        scf.if %cond3A_540 {
          %add3A_541 = arith.constant 3 : i32
          %add3A_542 = arith.addi %scan3A_383, %add3A_541 : i32
          %mul3A_543 = arith.constant 20000 : i32
          %mul3A_544 = arith.muli %arg1, %mul3A_543 : i32
          %mul3A_545 = arith.constant 400 : i32
          %mul3A_546 = arith.muli %add3A_542, %mul3A_545 : i32
          %add3A_547 = arith.addi %mul3A_544, %mul3A_546 : i32
          %dma_start3A_548 = tpu.memref_slice %arg2[%add3A_547, %mul3A_0] : memref<330000x128xf32, #tpu.memory_space<hbm>> -> memref<400x64xf32, #tpu.memory_space<hbm>>
          %dma_start3A_549 = tpu.memref_slice %arg2[%add3A_547, %mul3A_0] : memref<330000x128xf32, #tpu.memory_space<hbm>> -> memref<400x64xf32, #tpu.memory_space<hbm>>
          tpu.enqueue_dma source(%dma_start3A_549 : memref<400x64xf32, #tpu.memory_space<hbm>>) target(%arg8 : memref<400x64xf32, #tpu.memory_space<vmem>>) target_semaphore(%arg14 : memref<!tpu.dma_semaphore, #tpu.memory_space<semaphore_mem>>)
          %jit3A_550 = arith.constant 80 : i32
          %div3A_551 = arith.divsi %add3A_547, %jit3A_550 : i32
          %sign3A_552 = arith.constant 0 : i32
          %sign3A_553 = arith.cmpi sgt, %add3A_547, %sign3A_552 : i32
          %sign3A_554 = arith.extui %sign3A_553 : i1 to i32
          %sign3A_555 = arith.constant 0 : i32
          %sign3A_556 = arith.cmpi slt, %add3A_547, %sign3A_555 : i32
          %sign3A_557 = arith.extui %sign3A_556 : i1 to i32
          %sign3A_558 = arith.subi %sign3A_554, %sign3A_557 : i32
          %sign3A_559 = arith.constant 0 : i32
          %sign3A_560 = arith.cmpi sgt, %jit3A_550, %sign3A_559 : i32
          %sign3A_561 = arith.extui %sign3A_560 : i1 to i32
          %sign3A_562 = arith.constant 0 : i32
          %sign3A_563 = arith.cmpi slt, %jit3A_550, %sign3A_562 : i32
          %sign3A_564 = arith.extui %sign3A_563 : i1 to i32
          %sign3A_565 = arith.subi %sign3A_561, %sign3A_564 : i32
          %ne3A_566 = arith.cmpi ne, %sign3A_558, %sign3A_565 : i32
          %rem3A_567 = arith.remsi %add3A_547, %jit3A_550 : i32
          %ne3A_568 = arith.constant 0 : i32
          %ne3A_569 = arith.cmpi ne, %rem3A_567, %ne3A_568 : i32
          %and3A_570 = arith.andi %ne3A_566, %ne3A_569 : i1
          %sub3A_571 = arith.constant 1 : i32
          %sub3A_572 = arith.subi %div3A_551, %sub3A_571 : i32
          %select_n3A_573 = arith.select %and3A_570, %sub3A_572, %div3A_551 : i32
          %dma_start3A_574 = arith.constant 0 : i32
          %dma_start3A_575 = tpu.memref_slice %arg3[%select_n3A_573, %dma_start3A_574] : memref<4000x80xi32, #tpu.memory_space<hbm>> -> memref<5x80xi32, #tpu.memory_space<hbm>>
          %dma_start3A_576 = arith.constant 0 : i32
          %dma_start3A_577 = tpu.memref_slice %arg3[%select_n3A_573, %dma_start3A_576] : memref<4000x80xi32, #tpu.memory_space<hbm>> -> memref<5x80xi32, #tpu.memory_space<hbm>>
          tpu.enqueue_dma source(%dma_start3A_577 : memref<5x80xi32, #tpu.memory_space<hbm>>) target(%arg11 : memref<5x80xi32, #tpu.memory_space<vmem>>) target_semaphore(%arg17 : memref<!tpu.dma_semaphore, #tpu.memory_space<semaphore_mem>>)
        } else {
        }
      } else {
      }
    }
    %scan3A_237 = arith.constant 50 : i32
    %barrier3A_238 = arith.constant 0 : index
    tpu.barrier barrier_id(%barrier3A_238)
    %mul3A_239 = arith.constant 640 : i32
    %mul3A_240 = arith.muli %arg1, %mul3A_239 : i32
    %add3A_241 = arith.constant 0 : i32
    %add3A_242 = arith.addi %mul3A_240, %add3A_241 : i32
    %lt3A_243 = arith.constant 10000 : i32
    %lt3A_244 = arith.cmpi slt, %add3A_242, %lt3A_243 : i32
    %convert_element_type3A_245 = arith.extui %lt3A_244 : i1 to i32
    %cond3A_246 = arith.constant 0 : i32
    %cond3A_247 = arith.cmpi ne, %convert_element_type3A_245, %cond3A_246 : i32
    scf.if %cond3A_247 {
      %dma_start3A_383 = tpu.memref_slice %arg4[%add3A_242, %mul3A_0] : memref<10000x128xf32, #tpu.memory_space<hbm>> -> memref<80x64xf32, #tpu.memory_space<hbm>>
      %dma_start3A_384 = arith.constant 0 : i32
      %dma_start3A_385 = tpu.memref_slice %arg5[%add3A_242, %dma_start3A_384] : memref<10240x64xf32, #tpu.memory_space<vmem_shared>> -> memref<80x64xf32, #tpu.memory_space<vmem_shared>>
      tpu.enqueue_dma source(%dma_start3A_385 : memref<80x64xf32, #tpu.memory_space<vmem_shared>>) target(%dma_start3A_383 : memref<80x64xf32, #tpu.memory_space<hbm>>) target_semaphore(%arg18 : memref<!tpu.dma_semaphore, #tpu.memory_space<semaphore_mem>>)
    } else {
    }
    %mul3A_248 = arith.constant 640 : i32
    %mul3A_249 = arith.muli %arg1, %mul3A_248 : i32
    %add3A_250 = arith.constant 80 : i32
    %add3A_251 = arith.addi %mul3A_249, %add3A_250 : i32
    %lt3A_252 = arith.constant 10000 : i32
    %lt3A_253 = arith.cmpi slt, %add3A_251, %lt3A_252 : i32
    %convert_element_type3A_254 = arith.extui %lt3A_253 : i1 to i32
    %cond3A_255 = arith.constant 0 : i32
    %cond3A_256 = arith.cmpi ne, %convert_element_type3A_254, %cond3A_255 : i32
    scf.if %cond3A_256 {
      %dma_start3A_383 = tpu.memref_slice %arg4[%add3A_251, %mul3A_0] : memref<10000x128xf32, #tpu.memory_space<hbm>> -> memref<80x64xf32, #tpu.memory_space<hbm>>
      %dma_start3A_384 = arith.constant 0 : i32
      %dma_start3A_385 = tpu.memref_slice %arg5[%add3A_251, %dma_start3A_384] : memref<10240x64xf32, #tpu.memory_space<vmem_shared>> -> memref<80x64xf32, #tpu.memory_space<vmem_shared>>
      tpu.enqueue_dma source(%dma_start3A_385 : memref<80x64xf32, #tpu.memory_space<vmem_shared>>) target(%dma_start3A_383 : memref<80x64xf32, #tpu.memory_space<hbm>>) target_semaphore(%arg18 : memref<!tpu.dma_semaphore, #tpu.memory_space<semaphore_mem>>)
    } else {
    }
    %mul3A_257 = arith.constant 640 : i32
    %mul3A_258 = arith.muli %arg1, %mul3A_257 : i32
    %add3A_259 = arith.constant 160 : i32
    %add3A_260 = arith.addi %mul3A_258, %add3A_259 : i32
    %lt3A_261 = arith.constant 10000 : i32
    %lt3A_262 = arith.cmpi slt, %add3A_260, %lt3A_261 : i32
    %convert_element_type3A_263 = arith.extui %lt3A_262 : i1 to i32
    %cond3A_264 = arith.constant 0 : i32
    %cond3A_265 = arith.cmpi ne, %convert_element_type3A_263, %cond3A_264 : i32
    scf.if %cond3A_265 {
      %dma_start3A_383 = tpu.memref_slice %arg4[%add3A_260, %mul3A_0] : memref<10000x128xf32, #tpu.memory_space<hbm>> -> memref<80x64xf32, #tpu.memory_space<hbm>>
      %dma_start3A_384 = arith.constant 0 : i32
      %dma_start3A_385 = tpu.memref_slice %arg5[%add3A_260, %dma_start3A_384] : memref<10240x64xf32, #tpu.memory_space<vmem_shared>> -> memref<80x64xf32, #tpu.memory_space<vmem_shared>>
      tpu.enqueue_dma source(%dma_start3A_385 : memref<80x64xf32, #tpu.memory_space<vmem_shared>>) target(%dma_start3A_383 : memref<80x64xf32, #tpu.memory_space<hbm>>) target_semaphore(%arg18 : memref<!tpu.dma_semaphore, #tpu.memory_space<semaphore_mem>>)
    } else {
    }
    %mul3A_266 = arith.constant 640 : i32
    %mul3A_267 = arith.muli %arg1, %mul3A_266 : i32
    %add3A_268 = arith.constant 240 : i32
    %add3A_269 = arith.addi %mul3A_267, %add3A_268 : i32
    %lt3A_270 = arith.constant 10000 : i32
    %lt3A_271 = arith.cmpi slt, %add3A_269, %lt3A_270 : i32
    %convert_element_type3A_272 = arith.extui %lt3A_271 : i1 to i32
    %cond3A_273 = arith.constant 0 : i32
    %cond3A_274 = arith.cmpi ne, %convert_element_type3A_272, %cond3A_273 : i32
    scf.if %cond3A_274 {
      %dma_start3A_383 = tpu.memref_slice %arg4[%add3A_269, %mul3A_0] : memref<10000x128xf32, #tpu.memory_space<hbm>> -> memref<80x64xf32, #tpu.memory_space<hbm>>
      %dma_start3A_384 = arith.constant 0 : i32
      %dma_start3A_385 = tpu.memref_slice %arg5[%add3A_269, %dma_start3A_384] : memref<10240x64xf32, #tpu.memory_space<vmem_shared>> -> memref<80x64xf32, #tpu.memory_space<vmem_shared>>
      tpu.enqueue_dma source(%dma_start3A_385 : memref<80x64xf32, #tpu.memory_space<vmem_shared>>) target(%dma_start3A_383 : memref<80x64xf32, #tpu.memory_space<hbm>>) target_semaphore(%arg18 : memref<!tpu.dma_semaphore, #tpu.memory_space<semaphore_mem>>)
    } else {
    }
    %mul3A_275 = arith.constant 640 : i32
    %mul3A_276 = arith.muli %arg1, %mul3A_275 : i32
    %add3A_277 = arith.constant 320 : i32
    %add3A_278 = arith.addi %mul3A_276, %add3A_277 : i32
    %lt3A_279 = arith.constant 10000 : i32
    %lt3A_280 = arith.cmpi slt, %add3A_278, %lt3A_279 : i32
    %convert_element_type3A_281 = arith.extui %lt3A_280 : i1 to i32
    %cond3A_282 = arith.constant 0 : i32
    %cond3A_283 = arith.cmpi ne, %convert_element_type3A_281, %cond3A_282 : i32
    scf.if %cond3A_283 {
      %dma_start3A_383 = tpu.memref_slice %arg4[%add3A_278, %mul3A_0] : memref<10000x128xf32, #tpu.memory_space<hbm>> -> memref<80x64xf32, #tpu.memory_space<hbm>>
      %dma_start3A_384 = arith.constant 0 : i32
      %dma_start3A_385 = tpu.memref_slice %arg5[%add3A_278, %dma_start3A_384] : memref<10240x64xf32, #tpu.memory_space<vmem_shared>> -> memref<80x64xf32, #tpu.memory_space<vmem_shared>>
      tpu.enqueue_dma source(%dma_start3A_385 : memref<80x64xf32, #tpu.memory_space<vmem_shared>>) target(%dma_start3A_383 : memref<80x64xf32, #tpu.memory_space<hbm>>) target_semaphore(%arg18 : memref<!tpu.dma_semaphore, #tpu.memory_space<semaphore_mem>>)
    } else {
    }
    %mul3A_284 = arith.constant 640 : i32
    %mul3A_285 = arith.muli %arg1, %mul3A_284 : i32
    %add3A_286 = arith.constant 400 : i32
    %add3A_287 = arith.addi %mul3A_285, %add3A_286 : i32
    %lt3A_288 = arith.constant 10000 : i32
    %lt3A_289 = arith.cmpi slt, %add3A_287, %lt3A_288 : i32
    %convert_element_type3A_290 = arith.extui %lt3A_289 : i1 to i32
    %cond3A_291 = arith.constant 0 : i32
    %cond3A_292 = arith.cmpi ne, %convert_element_type3A_290, %cond3A_291 : i32
    scf.if %cond3A_292 {
      %dma_start3A_383 = tpu.memref_slice %arg4[%add3A_287, %mul3A_0] : memref<10000x128xf32, #tpu.memory_space<hbm>> -> memref<80x64xf32, #tpu.memory_space<hbm>>
      %dma_start3A_384 = arith.constant 0 : i32
      %dma_start3A_385 = tpu.memref_slice %arg5[%add3A_287, %dma_start3A_384] : memref<10240x64xf32, #tpu.memory_space<vmem_shared>> -> memref<80x64xf32, #tpu.memory_space<vmem_shared>>
      tpu.enqueue_dma source(%dma_start3A_385 : memref<80x64xf32, #tpu.memory_space<vmem_shared>>) target(%dma_start3A_383 : memref<80x64xf32, #tpu.memory_space<hbm>>) target_semaphore(%arg18 : memref<!tpu.dma_semaphore, #tpu.memory_space<semaphore_mem>>)
    } else {
    }
    %mul3A_293 = arith.constant 640 : i32
    %mul3A_294 = arith.muli %arg1, %mul3A_293 : i32
    %add3A_295 = arith.constant 480 : i32
    %add3A_296 = arith.addi %mul3A_294, %add3A_295 : i32
    %lt3A_297 = arith.constant 10000 : i32
    %lt3A_298 = arith.cmpi slt, %add3A_296, %lt3A_297 : i32
    %convert_element_type3A_299 = arith.extui %lt3A_298 : i1 to i32
    %cond3A_300 = arith.constant 0 : i32
    %cond3A_301 = arith.cmpi ne, %convert_element_type3A_299, %cond3A_300 : i32
    scf.if %cond3A_301 {
      %dma_start3A_383 = tpu.memref_slice %arg4[%add3A_296, %mul3A_0] : memref<10000x128xf32, #tpu.memory_space<hbm>> -> memref<80x64xf32, #tpu.memory_space<hbm>>
      %dma_start3A_384 = arith.constant 0 : i32
      %dma_start3A_385 = tpu.memref_slice %arg5[%add3A_296, %dma_start3A_384] : memref<10240x64xf32, #tpu.memory_space<vmem_shared>> -> memref<80x64xf32, #tpu.memory_space<vmem_shared>>
      tpu.enqueue_dma source(%dma_start3A_385 : memref<80x64xf32, #tpu.memory_space<vmem_shared>>) target(%dma_start3A_383 : memref<80x64xf32, #tpu.memory_space<hbm>>) target_semaphore(%arg18 : memref<!tpu.dma_semaphore, #tpu.memory_space<semaphore_mem>>)
    } else {
    }
    %mul3A_302 = arith.constant 640 : i32
    %mul3A_303 = arith.muli %arg1, %mul3A_302 : i32
    %add3A_304 = arith.constant 560 : i32
    %add3A_305 = arith.addi %mul3A_303, %add3A_304 : i32
    %lt3A_306 = arith.constant 10000 : i32
    %lt3A_307 = arith.cmpi slt, %add3A_305, %lt3A_306 : i32
    %convert_element_type3A_308 = arith.extui %lt3A_307 : i1 to i32
    %cond3A_309 = arith.constant 0 : i32
    %cond3A_310 = arith.cmpi ne, %convert_element_type3A_308, %cond3A_309 : i32
    scf.if %cond3A_310 {
      %dma_start3A_383 = tpu.memref_slice %arg4[%add3A_305, %mul3A_0] : memref<10000x128xf32, #tpu.memory_space<hbm>> -> memref<80x64xf32, #tpu.memory_space<hbm>>
      %dma_start3A_384 = arith.constant 0 : i32
      %dma_start3A_385 = tpu.memref_slice %arg5[%add3A_305, %dma_start3A_384] : memref<10240x64xf32, #tpu.memory_space<vmem_shared>> -> memref<80x64xf32, #tpu.memory_space<vmem_shared>>
      tpu.enqueue_dma source(%dma_start3A_385 : memref<80x64xf32, #tpu.memory_space<vmem_shared>>) target(%dma_start3A_383 : memref<80x64xf32, #tpu.memory_space<hbm>>) target_semaphore(%arg18 : memref<!tpu.dma_semaphore, #tpu.memory_space<semaphore_mem>>)
    } else {
    }
    %mul3A_311 = arith.constant 640 : i32
    %mul3A_312 = arith.muli %arg1, %mul3A_311 : i32
    %add3A_313 = arith.constant 0 : i32
    %add3A_314 = arith.addi %mul3A_312, %add3A_313 : i32
    %lt3A_315 = arith.constant 10000 : i32
    %lt3A_316 = arith.cmpi slt, %add3A_314, %lt3A_315 : i32
    %convert_element_type3A_317 = arith.extui %lt3A_316 : i1 to i32
    %cond3A_318 = arith.constant 0 : i32
    %cond3A_319 = arith.cmpi ne, %convert_element_type3A_317, %cond3A_318 : i32
    scf.if %cond3A_319 {
      %dma_wait3A = tpu.memref_slice %arg4[%add3A_314, %mul3A_0] : memref<10000x128xf32, #tpu.memory_space<hbm>> -> memref<80x64xf32, #tpu.memory_space<hbm>>
      %dma_wait3A_383 = arith.constant 0 : i32
      %dma_wait3A_384 = tpu.memref_slice %arg5[%add3A_314, %dma_wait3A_383] : memref<10240x64xf32, #tpu.memory_space<vmem_shared>> -> memref<80x64xf32, #tpu.memory_space<vmem_shared>>
      tpu.wait_dma2 semaphore(%arg18 : memref<!tpu.dma_semaphore, #tpu.memory_space<semaphore_mem>>) src(%dma_wait3A_384 : memref<80x64xf32, #tpu.memory_space<vmem_shared>>) dst(%dma_wait3A : memref<80x64xf32, #tpu.memory_space<hbm>>)
    } else {
    }
    %mul3A_320 = arith.constant 640 : i32
    %mul3A_321 = arith.muli %arg1, %mul3A_320 : i32
    %add3A_322 = arith.constant 80 : i32
    %add3A_323 = arith.addi %mul3A_321, %add3A_322 : i32
    %lt3A_324 = arith.constant 10000 : i32
    %lt3A_325 = arith.cmpi slt, %add3A_323, %lt3A_324 : i32
    %convert_element_type3A_326 = arith.extui %lt3A_325 : i1 to i32
    %cond3A_327 = arith.constant 0 : i32
    %cond3A_328 = arith.cmpi ne, %convert_element_type3A_326, %cond3A_327 : i32
    scf.if %cond3A_328 {
      %dma_wait3A = tpu.memref_slice %arg4[%add3A_323, %mul3A_0] : memref<10000x128xf32, #tpu.memory_space<hbm>> -> memref<80x64xf32, #tpu.memory_space<hbm>>
      %dma_wait3A_383 = arith.constant 0 : i32
      %dma_wait3A_384 = tpu.memref_slice %arg5[%add3A_323, %dma_wait3A_383] : memref<10240x64xf32, #tpu.memory_space<vmem_shared>> -> memref<80x64xf32, #tpu.memory_space<vmem_shared>>
      tpu.wait_dma2 semaphore(%arg18 : memref<!tpu.dma_semaphore, #tpu.memory_space<semaphore_mem>>) src(%dma_wait3A_384 : memref<80x64xf32, #tpu.memory_space<vmem_shared>>) dst(%dma_wait3A : memref<80x64xf32, #tpu.memory_space<hbm>>)
    } else {
    }
    %mul3A_329 = arith.constant 640 : i32
    %mul3A_330 = arith.muli %arg1, %mul3A_329 : i32
    %add3A_331 = arith.constant 160 : i32
    %add3A_332 = arith.addi %mul3A_330, %add3A_331 : i32
    %lt3A_333 = arith.constant 10000 : i32
    %lt3A_334 = arith.cmpi slt, %add3A_332, %lt3A_333 : i32
    %convert_element_type3A_335 = arith.extui %lt3A_334 : i1 to i32
    %cond3A_336 = arith.constant 0 : i32
    %cond3A_337 = arith.cmpi ne, %convert_element_type3A_335, %cond3A_336 : i32
    scf.if %cond3A_337 {
      %dma_wait3A = tpu.memref_slice %arg4[%add3A_332, %mul3A_0] : memref<10000x128xf32, #tpu.memory_space<hbm>> -> memref<80x64xf32, #tpu.memory_space<hbm>>
      %dma_wait3A_383 = arith.constant 0 : i32
      %dma_wait3A_384 = tpu.memref_slice %arg5[%add3A_332, %dma_wait3A_383] : memref<10240x64xf32, #tpu.memory_space<vmem_shared>> -> memref<80x64xf32, #tpu.memory_space<vmem_shared>>
      tpu.wait_dma2 semaphore(%arg18 : memref<!tpu.dma_semaphore, #tpu.memory_space<semaphore_mem>>) src(%dma_wait3A_384 : memref<80x64xf32, #tpu.memory_space<vmem_shared>>) dst(%dma_wait3A : memref<80x64xf32, #tpu.memory_space<hbm>>)
    } else {
    }
    %mul3A_338 = arith.constant 640 : i32
    %mul3A_339 = arith.muli %arg1, %mul3A_338 : i32
    %add3A_340 = arith.constant 240 : i32
    %add3A_341 = arith.addi %mul3A_339, %add3A_340 : i32
    %lt3A_342 = arith.constant 10000 : i32
    %lt3A_343 = arith.cmpi slt, %add3A_341, %lt3A_342 : i32
    %convert_element_type3A_344 = arith.extui %lt3A_343 : i1 to i32
    %cond3A_345 = arith.constant 0 : i32
    %cond3A_346 = arith.cmpi ne, %convert_element_type3A_344, %cond3A_345 : i32
    scf.if %cond3A_346 {
      %dma_wait3A = tpu.memref_slice %arg4[%add3A_341, %mul3A_0] : memref<10000x128xf32, #tpu.memory_space<hbm>> -> memref<80x64xf32, #tpu.memory_space<hbm>>
      %dma_wait3A_383 = arith.constant 0 : i32
      %dma_wait3A_384 = tpu.memref_slice %arg5[%add3A_341, %dma_wait3A_383] : memref<10240x64xf32, #tpu.memory_space<vmem_shared>> -> memref<80x64xf32, #tpu.memory_space<vmem_shared>>
      tpu.wait_dma2 semaphore(%arg18 : memref<!tpu.dma_semaphore, #tpu.memory_space<semaphore_mem>>) src(%dma_wait3A_384 : memref<80x64xf32, #tpu.memory_space<vmem_shared>>) dst(%dma_wait3A : memref<80x64xf32, #tpu.memory_space<hbm>>)
    } else {
    }
    %mul3A_347 = arith.constant 640 : i32
    %mul3A_348 = arith.muli %arg1, %mul3A_347 : i32
    %add3A_349 = arith.constant 320 : i32
    %add3A_350 = arith.addi %mul3A_348, %add3A_349 : i32
    %lt3A_351 = arith.constant 10000 : i32
    %lt3A_352 = arith.cmpi slt, %add3A_350, %lt3A_351 : i32
    %convert_element_type3A_353 = arith.extui %lt3A_352 : i1 to i32
    %cond3A_354 = arith.constant 0 : i32
    %cond3A_355 = arith.cmpi ne, %convert_element_type3A_353, %cond3A_354 : i32
    scf.if %cond3A_355 {
      %dma_wait3A = tpu.memref_slice %arg4[%add3A_350, %mul3A_0] : memref<10000x128xf32, #tpu.memory_space<hbm>> -> memref<80x64xf32, #tpu.memory_space<hbm>>
      %dma_wait3A_383 = arith.constant 0 : i32
      %dma_wait3A_384 = tpu.memref_slice %arg5[%add3A_350, %dma_wait3A_383] : memref<10240x64xf32, #tpu.memory_space<vmem_shared>> -> memref<80x64xf32, #tpu.memory_space<vmem_shared>>
      tpu.wait_dma2 semaphore(%arg18 : memref<!tpu.dma_semaphore, #tpu.memory_space<semaphore_mem>>) src(%dma_wait3A_384 : memref<80x64xf32, #tpu.memory_space<vmem_shared>>) dst(%dma_wait3A : memref<80x64xf32, #tpu.memory_space<hbm>>)
    } else {
    }
    %mul3A_356 = arith.constant 640 : i32
    %mul3A_357 = arith.muli %arg1, %mul3A_356 : i32
    %add3A_358 = arith.constant 400 : i32
    %add3A_359 = arith.addi %mul3A_357, %add3A_358 : i32
    %lt3A_360 = arith.constant 10000 : i32
    %lt3A_361 = arith.cmpi slt, %add3A_359, %lt3A_360 : i32
    %convert_element_type3A_362 = arith.extui %lt3A_361 : i1 to i32
    %cond3A_363 = arith.constant 0 : i32
    %cond3A_364 = arith.cmpi ne, %convert_element_type3A_362, %cond3A_363 : i32
    scf.if %cond3A_364 {
      %dma_wait3A = tpu.memref_slice %arg4[%add3A_359, %mul3A_0] : memref<10000x128xf32, #tpu.memory_space<hbm>> -> memref<80x64xf32, #tpu.memory_space<hbm>>
      %dma_wait3A_383 = arith.constant 0 : i32
      %dma_wait3A_384 = tpu.memref_slice %arg5[%add3A_359, %dma_wait3A_383] : memref<10240x64xf32, #tpu.memory_space<vmem_shared>> -> memref<80x64xf32, #tpu.memory_space<vmem_shared>>
      tpu.wait_dma2 semaphore(%arg18 : memref<!tpu.dma_semaphore, #tpu.memory_space<semaphore_mem>>) src(%dma_wait3A_384 : memref<80x64xf32, #tpu.memory_space<vmem_shared>>) dst(%dma_wait3A : memref<80x64xf32, #tpu.memory_space<hbm>>)
    } else {
    }
    %mul3A_365 = arith.constant 640 : i32
    %mul3A_366 = arith.muli %arg1, %mul3A_365 : i32
    %add3A_367 = arith.constant 480 : i32
    %add3A_368 = arith.addi %mul3A_366, %add3A_367 : i32
    %lt3A_369 = arith.constant 10000 : i32
    %lt3A_370 = arith.cmpi slt, %add3A_368, %lt3A_369 : i32
    %convert_element_type3A_371 = arith.extui %lt3A_370 : i1 to i32
    %cond3A_372 = arith.constant 0 : i32
    %cond3A_373 = arith.cmpi ne, %convert_element_type3A_371, %cond3A_372 : i32
    scf.if %cond3A_373 {
      %dma_wait3A = tpu.memref_slice %arg4[%add3A_368, %mul3A_0] : memref<10000x128xf32, #tpu.memory_space<hbm>> -> memref<80x64xf32, #tpu.memory_space<hbm>>
      %dma_wait3A_383 = arith.constant 0 : i32
      %dma_wait3A_384 = tpu.memref_slice %arg5[%add3A_368, %dma_wait3A_383] : memref<10240x64xf32, #tpu.memory_space<vmem_shared>> -> memref<80x64xf32, #tpu.memory_space<vmem_shared>>
      tpu.wait_dma2 semaphore(%arg18 : memref<!tpu.dma_semaphore, #tpu.memory_space<semaphore_mem>>) src(%dma_wait3A_384 : memref<80x64xf32, #tpu.memory_space<vmem_shared>>) dst(%dma_wait3A : memref<80x64xf32, #tpu.memory_space<hbm>>)
    } else {
    }
    %mul3A_374 = arith.constant 640 : i32
    %mul3A_375 = arith.muli %arg1, %mul3A_374 : i32
    %add3A_376 = arith.constant 560 : i32
    %add3A_377 = arith.addi %mul3A_375, %add3A_376 : i32
    %lt3A_378 = arith.constant 10000 : i32
    %lt3A_379 = arith.cmpi slt, %add3A_377, %lt3A_378 : i32
    %convert_element_type3A_380 = arith.extui %lt3A_379 : i1 to i32
    %cond3A_381 = arith.constant 0 : i32
    %cond3A_382 = arith.cmpi ne, %convert_element_type3A_380, %cond3A_381 : i32
    scf.if %cond3A_382 {
      %dma_wait3A = tpu.memref_slice %arg4[%add3A_377, %mul3A_0] : memref<10000x128xf32, #tpu.memory_space<hbm>> -> memref<80x64xf32, #tpu.memory_space<hbm>>
      %dma_wait3A_383 = arith.constant 0 : i32
      %dma_wait3A_384 = tpu.memref_slice %arg5[%add3A_377, %dma_wait3A_383] : memref<10240x64xf32, #tpu.memory_space<vmem_shared>> -> memref<80x64xf32, #tpu.memory_space<vmem_shared>>
      tpu.wait_dma2 semaphore(%arg18 : memref<!tpu.dma_semaphore, #tpu.memory_space<semaphore_mem>>) src(%dma_wait3A_384 : memref<80x64xf32, #tpu.memory_space<vmem_shared>>) dst(%dma_wait3A : memref<80x64xf32, #tpu.memory_space<hbm>>)
    } else {
    }
    return
  }
}

</mosaic_0001>

<sc_bundles>
// kernel: kernel.3.cloned.1.call-start
scs
__scs_entry_jumppad:
0x0: {  	(pc) =	sbr.rel $0x88, $3  }
0x1: {  	(tag) =	ssettag $0x0;
	lr =	simm.s32 $0x1  }
0x2: {  	[smem:$0x3F9F] =	sst lr;
	_ =	strace $0xD0000000  }
0x3: {  	_ = 	snop  }
0x4: {  	_ = 	snop  }
0x5: {  	_ = 	snop  }
0x6: {  	_ = 	snop  }
0x7: {  	_ = 	snop  }
__scs_overlays_trampoline_lowered:
0x8: {  	[smem:$0x3FAE] =	sst s0  }
0x9: {  	[smem:$0x3FAF] =	sst s1  }
0xa: {  	[smem:$0x3FB0] =	sst s2  }
0xb: {  	[smem:$0x3FB1] =	sst s3  }
0xc: {  	[smem:$0x3FB2] =	sst s4  }
0xd: {  	[smem:$0x3FB3] =	sst s5  }
0xe: {  	[smem:$0x3FB4] =	sst s6  }
0xf: {  	[smem:$0x3FB5] =	sst s7  }
0x10: {  	[smem:$0x3FB6] =	sst s8  }
0x11: {  	[smem:$0x3FB7] =	sst s9;
	s0 =	simm.s32 @!p0 $0x0  }
0x12: {  	s1 =	sld [smem:$0x3F9D];
	s0 =	simm.s32 @p0 $0x1  }
0x13: {  	[smem:$0x3FB8] =	sst s0;
	s0 =	simm.s32 @!p1 $0x0  }
0x14: {  	s2 =	sld [smem:$0x3F9C];
	s0 =	simm.s32 @p1 $0x1  }
0x15: {  	[smem:$0x3FB9] =	sst s0;
	s0 =	simm.s32 @!p2 $0x0  }
0x16: {  	s3 =	sld [smem:$0x3FDB];
	s0 =	simm.s32 @p2 $0x1  }
0x17: {  	s4 =	simm.s32 $0x1BF5;
	[smem:$0x3FBB] =	sst s0  }
0x18: {  	s0 =	sld [smem:$0x3F9E];
	_ =	swait.ge [sflag:s4], $0x0  }
0x19: {  	s7 =	sld [smem:$0x3F9F]  }
0x1a: {  	s8 =	sadd.s32 $0xFFFFE003, lr  }
0x1b: {  	s9 =	sadd.s32 $0xFFFFFEF7, lr;
	s5 =	simm.s32 $0xFFFFFFFF;
	p2 =	slt.u32 s8, $0xFFFFF086  }
0x1c: {  	p1 =	slt.u32 s9, $0xF7A;
	s5 =	simm.s32 @!p2 $0x0  }
0x1d: {  	s5 =	simm.s32 @p1 $0x1;
	p0 =	seq.s32 s7, s2  }
0x1e: {  	s7 =	smul.u32 @!p0 $0xF7A, s2;
	p2 =	seq.s32 @!p0 s5, $0x0  }
0x1f: {  	s9 =	smul.u32 $0xF7A, s1;
	s8 =	simm.s32 @!p0 $0x1BF5;
	p2 =	por !p2, p0  }
0x20: {  	[sflag:s8] =	ssyncset.s32 @!p0 $0xFFFFF086;
	s6 =	sadd.s32 @!p0 s3, s7;
	s7 =	simm.s32 @!p0 $0x108  }
0x21: {  	s3 =	sadd.s32 s3, s9;
	s6 =	sadd.s32 @!p0 $0x88, s6;
	s7 =	simm.s32 @p2 $0x1082  }
0x22: {  	[simem:s7], [sflag:s8] =	dma.local @!p0 [hbm:s6], $0xF7A  }
0x23: {  	s9 =	sor.u32 $0xD0000000, s2;
	s6 =	simm.s32 $0x108;
	_ =	swait.ge @!p0 [sflag:s8], $0x0  }
0x24: {  	s3 =	sadd.s32 $0x88, s3;
	s6 =	simm.s32 @!p1 $0x1082;
	[sflag:s4] =	ssyncset.s32 $0xFFFFF086  }
0x25: {  	[simem:s6], [sflag:s4] =	dma.local [hbm:s3], $0xF7A  }
0x26: {  	[smem:$0x3F9F] =	sst s1;
	(tag) =	ssettag s2;
	_ =	strace s9  }
0x27: {  	s1 =	sld [smem:$0x3FAF]  }
0x28: {  	s2 =	sld [smem:$0x3FB0]  }
0x29: {  	s4 =	sld [smem:$0x3FB2]  }
0x2a: {  	p0 =	seq.s32 s5, $0x0;
	s5 =	sld [smem:$0x3FB3]  }
0x2b: {  	s6 =	sld [smem:$0x3FB4]  }
0x2c: {  	s7 =	sld [smem:$0x3FB5]  }
0x2d: {  	s3 =	simm.s32 $0x108;
	s8 =	sld [smem:$0x3FB6]  }
0x2e: {  	s3 =	simm.s32 @!p0 $0x1082;
	s9 =	sld [smem:$0x3FB7]  }
0x2f: {  	lr =	sadd.s32 s0, s3;
	s0 =	sld [smem:$0x3FAE]  }
0x30: {  	s3 =	sld [smem:$0x3FB1]  }
0x31: {  	[smem:$0x3FBA] =	sst s10  }
0x32: {  	s10 =	sld [smem:$0x3FB8];
	_ =	sdelay $0x3  }
0x33: {  	p0 =	seq.s32 s10, $0x1;
	s10 =	sld [smem:$0x3FBA];
	_ =	sdelay $0x3  }
0x34: {  	[smem:$0x3FBA] =	sst s10  }
0x35: {  	s10 =	sld [smem:$0x3FB9];
	_ =	sdelay $0x3  }
0x36: {  	p1 =	seq.s32 s10, $0x1;
	s10 =	sld [smem:$0x3FBA];
	_ =	sdelay $0x3  }
0x37: {  	[smem:$0x3FBA] =	sst s10  }
0x38: {  	s10 =	sld [smem:$0x3FBB]  }
0x39: {  	_ = 	snop;
	(pc) =	sbr.ind lr, $3  }
0x3a: {  	_ = 	snop  }
0x3b: {  	_ = 	snop  }
0x3c: {  	p2 =	seq.s32 s10, $0x1;
	s10 =	sld [smem:$0x3FBA]  }
0x3d: {  	_ =	shalt  }
0x3e: {  	_ =	shalt  }
0x3f: {  	_ =	shalt  }
0x40: {  	_ =	shalt  }
0x41: {  	_ =	shalt  }
0x42: {  	_ =	shalt  }
0x43: {  	_ =	shalt  }
0x44: {  	_ =	shalt  }
0x45: {  	_ =	shalt  }
0x46: {  	_ =	shalt  }
0x47: {  	_ =	shalt  }
0x48: {  	_ =	shalt  }
0x49: {  	_ =	shalt  }
0x4a: {  	_ =	shalt  }
0x4b: {  	_ =	shalt  }
0x4c: {  	_ =	shalt  }
0x4d: {  	_ =	shalt  }
0x4e: {  	_ =	shalt  }
0x4f: {  	_ =	shalt  }
0x50: {  	_ =	shalt  }
0x51: {  	_ =	shalt  }
0x52: {  	_ =	shalt  }
0x53: {  	_ =	shalt  }
0x54: {  	_ =	shalt  }
0x55: {  	_ =	shalt  }
0x56: {  	_ =	shalt  }
0x57: {  	_ =	shalt  }
0x58: {  	_ =	shalt  }
0x59: {  	_ =	shalt  }
0x5a: {  	_ =	shalt  }
0x5b: {  	_ =	shalt  }
0x5c: {  	_ =	shalt  }
0x5d: {  	_ =	shalt  }
0x5e: {  	_ =	shalt  }
0x5f: {  	_ =	shalt  }
0x60: {  	_ =	shalt  }
0x61: {  	_ =	shalt  }
0x62: {  	_ =	shalt  }
0x63: {  	_ =	shalt  }
0x64: {  	_ =	shalt  }
0x65: {  	_ =	shalt  }
0x66: {  	_ =	shalt  }
0x67: {  	_ =	shalt  }
0x68: {  	_ =	shalt  }
0x69: {  	_ =	shalt  }
0x6a: {  	_ =	shalt  }
0x6b: {  	_ =	shalt  }
0x6c: {  	_ =	shalt  }
0x6d: {  	_ =	shalt  }
0x6e: {  	_ =	shalt  }
0x6f: {  	_ =	shalt  }
0x70: {  	_ =	shalt  }
0x71: {  	_ =	shalt  }
0x72: {  	_ =	shalt  }
0x73: {  	_ =	shalt  }
0x74: {  	_ =	shalt  }
0x75: {  	_ =	shalt  }
0x76: {  	_ =	shalt  }
0x77: {  	_ =	shalt  }
0x78: {  	_ =	shalt  }
0x79: {  	_ =	shalt  }
0x7a: {  	_ =	shalt  }
0x7b: {  	_ =	shalt  }
0x7c: {  	_ =	shalt  }
0x7d: {  	_ =	shalt  }
0x7e: {  	_ =	shalt  }
0x7f: {  	_ =	shalt  }
0x80: {  	_ =	shalt  }
0x81: {  	_ =	shalt  }
0x82: {  	_ =	shalt  }
0x83: {  	_ =	shalt  }
0x84: {  	_ =	shalt  }
0x85: {  	_ =	shalt  }
0x86: {  	_ =	shalt  }
0x87: {  	_ =	shalt  }
.Lfunc_end0:
.L_simem_size_0:
called_computation_lowered:
.L_overlay_start_0:
0x88: {  	s2 =	sld [smem:$0x3FD9]  }
0x89: {  	s3 =	sld [smem:$0x3FFE];
	_ =	sdelay $0x1  }
0x8a: {  	s1 =	srdreg.scid  }
0x8b: {  	s0 =	sand.u32 $0x1, s1  }
0x8c: {  	s18 =	sshll.u32 s0, $0xA;
	s2 =	sadd.s32 s3, s2  }
0x8d: {  	s2 =	sadd.s32 s2, s18  }
0x8e: {  	[smem:$0x3FC6] =	sst s2  }
0x8f: {  	_ = 	snop  }
0x90: {  	s2 =	sld [smem:$0x3FC9]  }
0x91: {  	s19 =	sld [smem:$0x3FC8]  }
0x92: {  	s4 =	sld [smem:$0x3FD0];
	(tm) =	ssettm $0x1  }
0x93: {  	s5 =	sld [smem:$0x3FFB];
	_ =	sdelay $0x3  }
0x94: {  	_ =	strace s5  }
0x95: {  	s5 =	sld [smem:$0x3FFC];
	_ =	sdelay $0x3  }
0x96: {  	_ =	strace s5  }
0x97: {  	s5 =	sld [smem:$0x3FFD];
	_ =	sdelay $0x3  }
0x98: {  	_ =	strace s5  }
0x99: {  	_ =	strace $0x8FFFFFFF  }
0x9a: {  	s20 =	sld [smem:$0x3FDB];
	_ =	sdelay $0x1  }
0x9b: {  	s6 =	simm.s32 $_scs_section_size  }
0x9c: {  	s7 =	simm.s32 $_size__tile_overlayer_lowered;
	s8 =	simm.s32 $_tile_overlayer_lowered  }
0x9d: {  	s23 =	simm.s32 $0x1BFF;
	s22 =	sshll.u32 s8, $0x1;
	s5 =	sadd.s32 s6, s20  }
0x9e: {  	s9 =	simm.s32 $0x0;
	s21 =	sshll.u32 s7, $0x1;
	s7 =	sadd.s32 s22, s5  }
0x9f: {  	[timem:s9], [sflag:s23] =	dma.local [hbm:s7], s21  }
0xa0: {  	_ =	swait.ge [sflag:s23], s21  }
0xa1: {  	s6 =	ssub.s32 $0x0, s21;
	[sflag:s23] =	ssyncset.done $0x0  }
0xa2: {  	[sflag:s23] =	ssyncadd.s32 s6;
	_ =	sdelay $0x1  }
0xa3: {  	s24 =	simm.s32 $0x1B8B  }
0xa4: {  	_ =	swait.ge [sflag:s24], $0x1  }
0xa5: {  	[sflag:s24] =	ssyncset.done $0x0  }
0xa6: {  	s25 =	simm.s32 $0x1B8E;
	[sflag:s24] =	ssyncadd.s32 $0xFFFFFFFF  }
0xa7: {  	s26 =	simm.s32 $execute0_lowered;
	[smem:$0x3FD2] =	sst s25  }
0xa8: {  	s6 =	sshll.u32 s26, $0x1;
	_ =	strace $0x80000046;
	[dreg:$0x1] =	wrdreg $0xFFFFFFFF  }
0xa9: {  	s28 =	simm.s32 $_size_execute0_lowered;
	s5 =	sadd.s32 s5, s6;
	[dreg:$0x0] =	wrdreg $0x0  }
0xaa: {  	s6 =	sshll.u32 s28, $0x1;
	[dreg:$0x2] =	wrdreg s5  }
0xab: {  	[dreg:$0x3] =	wrdreg s6  }
0xac: {  	[dreg:$0x4] =	wrdreg $0xC0  }
0xad: {  	_ =	task [dreg:s9], $0x5FFFF  }
0xae: {  	[dreg:$0x1] =	wrdreg $0xFFFFFFFF  }
0xaf: {  	[dreg:$0x0] =	wrdreg $0x60  }
0xb0: {  	[dreg:$0x2] =	wrdreg s2  }
0xb1: {  	[dreg:$0x3] =	wrdreg s19  }
0xb2: {  	[dreg:$0x4] =	wrdreg s4  }
0xb3: {  	[dreg:$0x5] =	wrdreg $0x0  }
0xb4: {  	[dreg:$0x6] =	wrdreg $0x9  }
0xb5: {  	_ =	task.clear_ibuf [dreg:s9], $0x7FFFF;
	_ =	strace $0x90000046  }
0xb6: {  	s29 =	simm.s32 $0x9;
	_ =	strace $0x80000048  }
0xb7: {  	_ =	swait.ge [sflag:s29], $0x1  }
0xb8: {  	[sflag:s29] =	ssyncadd.s32 $0xFFFFFFFF  }
0xb9: {  	_ =	strace $0x90000048  }
0xba: {  	_ =	sfence  }
0xbb: {  	s30 =	sld [smem:$0x0];
	_ =	sdelay $0x2  }
0xbc: {  	s31 =	sshll.u32 s1, $0xD;
	s1 =	sshrl.u32 s1, $0x2  }
0xbd: {  	s3 =	sand.u32 $0x4000, s31;
	s1 =	sadd.s32 s1, s30  }
0xbe: {  	s0 =	sor.u32 s3, s0;
	s1 =	sshll.u32 s1, $0x11  }
0xbf: {  	s0 =	sor.u32 s1, s0  }
0xc0: {  	s0 =	sadd.s32 $0x8F2B, s0  }
0xc1: {  	[sflag:s0] =	ssyncadd.remote.s32 $0x1  }
0xc2: {  	_ =	sfence.sel $0xFFFF  }
0xc3: {  	[dreg:$0x0] =	wrdreg $0xFFFFFFFF;
	(pc) =	sbr.abs _section_cstart, $3  }
0xc4: {  	[dreg:$0x1] =	wrdreg $0xFFFFFFFF  }
0xc5: {  	_ =	task.clear_ibuf [dreg:s9], $0x2FFFF;
	_ =	strace $0x9FFFFFFF  }
0xc6: {  	(tm) =	ssettm $0x7FFFFFFF  }
0xc7: {  	_ =	shalt  }
tec
execute0_lowered:
.L_overlay_start_1:
0x0: {  	(tag) =	ssettag $0x1  }
0x1: {  	s0 =	srdreg.scid;
	s24 =	stileid.u32  }
0x2: {  	s13 =	rddreg [dreg:$0x2];
	s2 =	sand.u32 $0x1, s0;
	s0 =	smul.u32 $0x4E20, s24  }
0x3: {  	s22 =	simm.s32 $0x0;
	s28 =	simm.s32 $0x3;
	s23 =	smul.u32 $0x271000, s24  }
0x4: {  	s29 =	simm.s32 $0x6;
	s30 =	simm.s32 $0x50;
	s4 =	smul.u32 $0x280, s24  }
0x5: {  	[smem:$0x7FF] =	sst s22;
	s6 =	smul.u32 $0x14000, s24;
	s1 =	ssub.s32 $0x2, s2  }
0x6: {  	p0 =	sgt.u32 s24, $0xE;
	s8 =	sshll.u32 s2, $0x6;
	s3 =	sshrl.u32 s1, $0x1  }
0x7: {  	s14 =	sadd.s32 $0x190, s0;
	s15 =	sadd.s32 $0x320, s0;
	s2 =	sor.u32 s8, s23  }
0x8: {  	s12 =	sor.u32 $0x50, s4;
	s9 =	sadd.s32 $0xA0, s4;
	s10 =	sadd.s32 $0xF0, s4  }
0x9: {  	s7 =	sadd.s32 $0x140, s4;
	s1 =	ssub.s32 s1, s3;
	s25 =	sshll.u32 s14, $0x7  }
0xa: {  	s5 =	sshll.u32 s15, $0x7;
	s3 =	sor.u32 s8, s6;
	s6 =	sadd.s32 $0x1E0, s4  }
0xb: {  	s11 =	sshll.u32 s12, $0x7;
	s18 =	sshll.u32 s9, $0x7;
	s14 =	smulhi.u32 $0xCCCCCCCD, s14  }
0xc: {  	s19 =	sshll.u32 s10, $0x7;
	s20 =	sshll.u32 s7, $0x7;
	s15 =	smulhi.u32 $0xCCCCCCCD, s15  }
0xd: {  	s12 =	sshll.u32 s12, $0x6;
	s9 =	sshll.u32 s9, $0x6;
	s10 =	sshll.u32 s10, $0x6  }
0xe: {  	s7 =	sshll.u32 s7, $0x6;
	s16 =	sor.u32 s8, s25;
	s17 =	sor.u32 s8, s5  }
0xf: {  	s5 =	sadd.s32 $0x190, s4;
	s4 =	sadd.s32 $0x230, s4;
	s11 =	sor.u32 s8, s11  }
0x10: {  	s18 =	sor.u32 s8, s18;
	s19 =	sor.u32 s8, s19;
	s20 =	sor.u32 s8, s20  }
0x11: {  	s22 =	sshll.u32 s6, $0x7;
	s26 =	sshrl.u32 s3, $0x3;
	s12 =	sand.u32 $0x3FFFF400, s12  }
0x12: {  	s25 =	sshrl.u32 s2, $0x3;
	s9 =	sand.u32 $0x3FFFE800, s9;
	s10 =	sand.u32 $0x3FFFFC00, s10  }
0x13: {  	s7 =	sand.u32 $0x3FFFF000, s7;
	s6 =	sshll.u32 s6, $0x6;
	s1 =	smax.u32 s1, $0x1  }
0x14: {  	s21 =	sshll.u32 s5, $0x7;
	s22 =	sor.u32 s8, s22;
	s23 =	sshll.u32 s4, $0x7  }
0x15: {  	s11 =	sshrl.u32 s11, $0x3;
	s14 =	sshrl.u32 s14, $0x6;
	s15 =	sshrl.u32 s15, $0x6  }
0x16: {  	s16 =	sshrl.u32 s16, $0x3;
	s17 =	sshrl.u32 s17, $0x3;
	s5 =	sshll.u32 s5, $0x6  }
0x17: {  	s6 =	sand.u32 $0x3FFFF800, s6;
	s4 =	sshll.u32 s4, $0x6;
	s21 =	sor.u32 s8, s21  }
0x18: {  	s23 =	sor.u32 s8, s23;
	s8 =	sadd.s32 s13, s26;
	s31 =	sadd.s32 s13, s11  }
0x19: {  	s11 =	sshrl.u32 s18, $0x3;
	s18 =	sshrl.u32 s19, $0x3;
	[dreg:$0x5] =	wrdreg s8  }
0x1a: {  	s19 =	sshrl.u32 s20, $0x3;
	[dreg:$0x6] =	wrdreg s31;
	s8 =	sadd.s32 s13, s11  }
0x1b: {  	s22 =	sshrl.u32 s22, $0x3;
	s20 =	sadd.s32 s13, s19;
	[dreg:$0x7] =	wrdreg s8  }
0x1c: {  	s14 =	smul.u32 $0x50, s14;
	s11 =	sadd.s32 s13, s22;
	[dreg:$0x9] =	wrdreg s20  }
0x1d: {  	s26 =	sshrl.u32 s0, $0x3;
	s15 =	smul.u32 $0x50, s15;
	[dreg:$0xb] =	wrdreg s11  }
0x1e: {  	s21 =	sshrl.u32 s21, $0x3;
	s8 =	sadd.s32 s13, s18;
	s11 =	rddreg [dreg:$0x1]  }
0x1f: {  	s5 =	sand.u32 $0x3FFFE400, s5;
	[dreg:$0x8] =	wrdreg s8;
	s8 =	sadd.s32 s13, s21  }
0x20: {  	s4 =	sand.u32 $0x3FFFEC00, s4;
	s23 =	sshrl.u32 s23, $0x3;
	[dreg:$0xa] =	wrdreg s8  }
0x21: {  	s31 =	smul.u32 $0x28000, s24;
	s13 =	sadd.s32 s13, s23;
	s8 =	rddreg [dreg:$0x0]  }
0x22: {  	s14 =	sshrl.u32 s14, $0x3;
	s19 =	sshrl.u32 s15, $0x3;
	[dreg:$0xc] =	wrdreg s13  }
0x23: {  	s14 =	sadd.s32 s11, s14;
	s20 =	sshra.s32 s31, $0x2;
	s13 =	rddreg [dreg:$0x3]  }
0x24: {  	s21 =	sadd.s32 $0x2710000, s3;
	_ =	strace $0x80000047;
	[dreg:$0x10] =	wrdreg s14  }
0x25: {  	s23 =	sshrl.u32 s21, $0x3;
	s18 =	sadd.s32 s8, s25;
	[smem:$0x7FA] =	sst s1  }
0x26: {  	s16 =	sadd.s32 s8, s16;
	s17 =	sadd.s32 s8, s17;
	[dreg:$0xd] =	wrdreg s18  }
0x27: {  	s14 =	sadd.s32 s11, s19;
	s22 =	sadd.s32 s20, s13;
	[dreg:$0xf] =	wrdreg s16  }
0x28: {  	s25 =	sadd.s32 $0x2712800, s3;
	s12 =	sadd.s32 s12, s13;
	[dreg:$0x11] =	wrdreg s17  }
0x29: {  	s9 =	sadd.s32 s9, s13;
	s7 =	sadd.s32 s7, s13;
	[dreg:$0x12] =	wrdreg s14  }
0x2a: {  	s20 =	sadd.s32 $0x271C800, s3;
	s5 =	sadd.s32 s5, s13;
	[dreg:$0x13] =	wrdreg s22  }
0x2b: {  	s4 =	sadd.s32 s4, s13;
	s1 =	simm.s32 $0x1CD40;
	[dreg:$0x15] =	wrdreg s12  }
0x2c: {  	s18 =	sadd.s32 s11, s26;
	s14 =	sadd.s32 s8, s23;
	[dreg:$0x17] =	wrdreg s9  }
0x2d: {  	s26 =	sshll.u32 s24, $0x6;
	s16 =	sadd.s32 s10, s13;
	[dreg:$0x1b] =	wrdreg s7  }
0x2e: {  	s17 =	sadd.s32 $0x2717800, s3;
	s7 =	sshrl.u32 s20, $0x3;
	[dreg:$0x1d] =	wrdreg s5  }
0x2f: {  	s23 =	sadd.s32 s6, s13;
	[smem:$0x7F8] =	sst s4;
	s20 =	simm.s32 $0x16800  }
0x30: {  	s24 =	simm.s32 $0x10;
	s4 =	simm.s32 $0x1CCA0;
	[dreg:$0xe] =	wrdreg s18  }
0x31: {  	s6 =	simm.s32 $0x1CCF0;
	[dreg:$0x14] =	wrdreg s14;
	s14 =	sshrl.u32 s25, $0x3  }
0x32: {  	s22 =	sadd.s32 $0x1C07, s26;
	[dreg:$0x19] =	wrdreg s16;
	s18 =	sadd.s32 $0x271A000, s3  }
0x33: {  	s9 =	sshrl.u32 s17, $0x3;
	s21 =	sadd.s32 s8, s7;
	[dreg:$0x1f] =	wrdreg s23  }
0x34: {  	s25 =	sadd.s32 $0x271F000, s3;
	s26 =	ssub.s32 $0xFFFFFB50, s0;
	s0 =	sadd.s32 $0x4B0, s0  }
0x35: {  	s23 =	simm.s32 $0x1;
	s7 =	simm.s32 $0x2;
	s31 =	sadd.s32 s8, s14  }
0x36: {  	s14 =	sadd.s32 $0x2715000, s3;
	s10 =	sshrl.u32 s18, $0x3;
	[dreg:$0x1e] =	wrdreg s21  }
0x37: {  	s9 =	sadd.s32 s8, s9;
	s3 =	sadd.s32 $0x2721800, s3;
	[smem:$0x7FB] =	sst s26  }
0x38: {  	s5 =	sshrl.u32 s25, $0x3;
	[smem:$0x7FC] =	sst s0;
	s21 =	simm.s32 $0x1CF20  }
0x39: {  	s18 =	simm.s32 $0x8;
	s26 =	simm.s32 $0x7;
	[dreg:$0x16] =	wrdreg s31  }
0x3a: {  	s0 =	simm.s32 $0x4;
	s12 =	sshrl.u32 s14, $0x3;
	[dreg:$0x1a] =	wrdreg s9  }
0x3b: {  	s19 =	sadd.s32 s8, s10;
	s3 =	sshrl.u32 s3, $0x3;
	s5 =	sadd.s32 s8, s5  }
.Ltmp0:
0x3c: {  	s31 =	sadd.s32 $0x25800, s2;
	[dreg:$0x1c] =	wrdreg s19;
	(pc) =	sbr.rel .LBB2_1-.Ltmp0, $4  }
0x3d: {  	s9 =	simm.s32 $0x5;
	s14 =	simm.s32 $0xF000;
	[smem:$0x7F7] =	sst s5  }
0x3e: {  	s15 =	sadd.s32 s8, s12;
	s3 =	sadd.s32 s8, s3;
	[smem:$0x7FD] =	sst s31  }
0x3f: {  	s19 =	simm.s32 $0x1CD90;
	s5 =	simm.s32 $0xC800;
	[dreg:$0x18] =	wrdreg s15  }
0x40: {  	s12 =	simm.s32 $0xDC00;
	[smem:$0x7F9] =	sst s3;
	s15 =	simm.s32 $0x0  }
.LBB2_8:
0x41: {  	[bflag:$0x0] =	sbarrier.arrive $0xFFFF  }
0x42: {  	s3 =	sld [smem:$0x7EF];
	_ =	sdelay $0x1  }
0x43: {  	s18 =	simm.s32 $0x8;
	s24 =	simm.s32 $0x10;
	s2 =	rddreg [dreg:$0x5]  }
0x44: {  	[hbm:s2@s24], [sflag:s22] =	dma.strided [spmem:s3@s18], $0x280, s23, $0x8   }
0x45: {  	s3 =	sld [smem:$0x7F0];
	_ =	sdelay $0x1  }
0x46: {  	s2 =	rddreg [dreg:$0x6]  }
0x47: {  	[hbm:s2@s24], [sflag:s22] =	dma.strided [spmem:s3@s18], $0x280, s23, $0x8   }
0x48: {  	s3 =	sld [smem:$0x7F1];
	_ =	sdelay $0x1  }
0x49: {  	s2 =	rddreg [dreg:$0x7]  }
0x4a: {  	[hbm:s2@s24], [sflag:s22] =	dma.strided [spmem:s3@s18], $0x280, s23, $0x8   }
0x4b: {  	s3 =	sld [smem:$0x7F2];
	_ =	sdelay $0x1  }
0x4c: {  	s2 =	rddreg [dreg:$0x8]  }
0x4d: {  	[hbm:s2@s24], [sflag:s22] =	dma.strided [spmem:s3@s18], $0x280, s23, $0x8   }
0x4e: {  	s3 =	sld [smem:$0x7F3];
	_ =	sdelay $0x1  }
0x4f: {  	s2 =	rddreg [dreg:$0x9]  }
0x50: {  	[hbm:s2@s24], [sflag:s22] =	dma.strided [spmem:s3@s18], $0x280, s23, $0x8   }
0x51: {  	s17 =	sld [smem:$0x7F4]  }
0x52: {  	s10 =	simm.s32 @!p0 $0x8  }
0x53: {  	s2 =	simm.s32 @!p0 $0x1;
	s3 =	simm.s32 @!p0 $0x10;
	s16 =	rddreg [dreg:$0xa]  }
0x54: {  	[hbm:s16@s3], [sflag:s22] =	dma.strided @!p0 [spmem:s17@s10], $0x280, s2, $0x8   }
0x55: {  	s17 =	sld [smem:$0x7F5];
	_ =	sdelay $0x1  }
0x56: {  	s16 =	rddreg [dreg:$0xb]  }
0x57: {  	[hbm:s16@s3], [sflag:s22] =	dma.strided @!p0 [spmem:s17@s10], $0x280, s2, $0x8   }
0x58: {  	s17 =	sld [smem:$0x7F6];
	_ =	sdelay $0x1  }
0x59: {  	s16 =	rddreg [dreg:$0xc]  }
0x5a: {  	[hbm:s16@s3], [sflag:s22] =	dma.strided @!p0 [spmem:s17@s10], $0x280, s2, $0x8   }
0x5b: {  	_ =	swait.ge [sflag:s26], $0x280  }
0x5c: {  	[sflag:s26] =	ssyncset.done $0x0  }
0x5d: {  	[sflag:s26] =	ssyncadd.s32 $0xFFFFFD80  }
0x5e: {  	_ =	swait.ge [sflag:s26], $0x280  }
0x5f: {  	[sflag:s26] =	ssyncset.done $0x0  }
0x60: {  	[sflag:s26] =	ssyncadd.s32 $0xFFFFFD80  }
0x61: {  	_ =	swait.ge [sflag:s26], $0x280  }
0x62: {  	[sflag:s26] =	ssyncset.done $0x0  }
0x63: {  	[sflag:s26] =	ssyncadd.s32 $0xFFFFFD80  }
0x64: {  	_ =	swait.ge [sflag:s26], $0x280  }
0x65: {  	[sflag:s26] =	ssyncset.done $0x0  }
0x66: {  	[sflag:s26] =	ssyncadd.s32 $0xFFFFFD80  }
0x67: {  	_ =	swait.ge [sflag:s26], $0x280  }
0x68: {  	[sflag:s26] =	ssyncset.done $0x0  }
0x69: {  	s2 =	simm.s32 @!p0 $0x7;
	[sflag:s26] =	ssyncadd.s32 $0xFFFFFD80  }
0x6a: {  	_ =	swait.ge @!p0 [sflag:s2], $0x280  }
0x6b: {  	[sflag:s2] =	ssyncset.done @!p0 $0x0  }
0x6c: {  	[sflag:s2] =	ssyncadd.s32 @!p0 $0xFFFFFD80  }
0x6d: {  	_ =	swait.ge @!p0 [sflag:s2], $0x280  }
0x6e: {  	[sflag:s2] =	ssyncset.done @!p0 $0x0  }
0x6f: {  	[sflag:s2] =	ssyncadd.s32 @!p0 $0xFFFFFD80  }
0x70: {  	_ =	swait.ge @!p0 [sflag:s2], $0x280  }
0x71: {  	s31 =	sld [smem:$0x7FA];
	_ =	sdelay $0x1  }
0x72: {  	s15 =	sadd.s32 $0x1, s15  }
0x73: {  	p1 =	sne.s32 s15, s31  }
.Ltmp1:
0x74: {  	_ = 	snop;
	(pc) =	sbr.rel @!p1 .LBB2_9-.Ltmp1, $3  }
0x75: {  	_ =	sdelay $0x1  }
0x76: {  	[sflag:s2] =	ssyncset.done @!p0 $0x0  }
0x77: {  	[sflag:s2] =	ssyncadd.s32 @!p0 $0xFFFFFD80  }
.LBB2_1:
0x78: {  	s2 =	rddreg [dreg:$0xd]  }
0x79: {  	s10 =	simm.s32 $0x40;
	s16 =	simm.s32 $0x80;
	s3 =	simm.s32 $0xA000  }
0x7a: {  	[tilespmem:s3], [sflag:$0x1] =	stream.strided.gather [hbm4b:s2+s10], $0x6400, s16, s10, $0x38;
	[tilespmem:$0x1D0B0] =	vst v63  }
0x7b: {  	s25 =	rddreg [dreg:$0xe];
	s17 =	simm.s32 $0x1CC00;
	s2 =	simm.s32 $0x0  }
0x7c: {  	[tilespmem:s17], [sflag:$0x4] =	stream.linear.gather [hbm4b:s25+s2], $0x190, $0x38;
	[tilespmem:$0x1D0B0] =	vst v63  }
0x7d: {  	s17 =	rddreg [dreg:$0xf];
	s25 =	simm.s32 $0x10400  }
0x7e: {  	[tilespmem:s25], [sflag:$0x2] =	stream.strided.gather [hbm4b:s17+s10], $0x6400, s16, s10, $0x38;
	[tilespmem:$0x1D0B0] =	vst v63  }
0x7f: {  	s17 =	rddreg [dreg:$0x10]  }
0x80: {  	[tilespmem:s19], [sflag:$0x5] =	stream.linear.gather [hbm4b:s17+s2], $0x190, $0x38;
	[tilespmem:$0x1D0B0] =	vst v63  }
0x81: {  	s25 =	rddreg [dreg:$0x11]  }
0x82: {  	[tilespmem:s20], [sflag:$0x3] =	stream.strided.gather [hbm4b:s25+s10], $0x6400, s16, s10, $0x38;
	[tilespmem:$0x1D0B0] =	vst v63  }
0x83: {  	s10 =	rddreg [dreg:$0x12]  }
0x84: {  	s16 =	rddreg [dreg:$0x13]  }
0x85: {  	s25 =	rddreg [dreg:$0x14];
	s17 =	sshrl.u32 s16, $0x3  }
0x86: {  	[tilespmem:s21], [sflag:$0x6] =	stream.linear.gather [hbm4b:s10+s2], $0x190, $0x38;
	[tilespmem:$0x1D0B0] =	vst v63  }
0x87: {  	[smem:$0x7EF] =	sst s17  }
0x88: {  	[spmem:s17@s18], [sflag:s22] =	dma.strided [hbm:s25@s24], $0x280, s23, $0x8   }
0x89: {  	s2 =	rddreg [dreg:$0x15]  }
0x8a: {  	s16 =	rddreg [dreg:$0x16];
	s10 =	sshrl.u32 s2, $0x3  }
0x8b: {  	[smem:$0x7F0] =	sst s10  }
0x8c: {  	[spmem:s10@s18], [sflag:s22] =	dma.strided [hbm:s16@s24], $0x280, s23, $0x8   }
0x8d: {  	s2 =	rddreg [dreg:$0x17]  }
0x8e: {  	s25 =	rddreg [dreg:$0x18];
	s17 =	sshrl.u32 s2, $0x3  }
0x8f: {  	[smem:$0x7F1] =	sst s17  }
0x90: {  	[spmem:s17@s18], [sflag:s22] =	dma.strided [hbm:s25@s24], $0x280, s23, $0x8   }
0x91: {  	s2 =	rddreg [dreg:$0x19]  }
0x92: {  	s16 =	rddreg [dreg:$0x1a];
	s10 =	sshrl.u32 s2, $0x3  }
0x93: {  	[smem:$0x7F2] =	sst s10  }
0x94: {  	[spmem:s10@s18], [sflag:s22] =	dma.strided [hbm:s16@s24], $0x280, s23, $0x8   }
0x95: {  	s2 =	rddreg [dreg:$0x1b]  }
0x96: {  	s25 =	rddreg [dreg:$0x1c];
	s17 =	sshrl.u32 s2, $0x3  }
0x97: {  	[smem:$0x7F3] =	sst s17  }
0x98: {  	[spmem:s17@s18], [sflag:s22] =	dma.strided [hbm:s25@s24], $0x280, s23, $0x8   }
0x99: {  	s2 =	rddreg [dreg:$0x1d]  }
0x9a: {  	s10 =	simm.s32 @!p0 $0x1;
	s3 =	sshrl.u32 @!p0 s2, $0x3;
	s2 =	rddreg [dreg:$0x1e]  }
0x9b: {  	s16 =	simm.s32 @!p0 $0x8;
	s24 =	simm.s32 @!p0 $0x10;
	[smem:$0x7F4] =	sst s3  }
0x9c: {  	[spmem:s3@s16], [sflag:s22] =	dma.strided @!p0 [hbm:s2@s24], $0x280, s10, $0x8   }
0x9d: {  	s2 =	rddreg [dreg:$0x1f]  }
0x9e: {  	s3 =	sshrl.u32 @!p0 s2, $0x3;
	s2 =	sld [smem:$0x7F7];
	_ =	sdelay $0x1  }
0x9f: {  	[smem:$0x7F5] =	sst s3  }
0xa0: {  	[spmem:s3@s16], [sflag:s22] =	dma.strided @!p0 [hbm:s2@s24], $0x280, s10, $0x8   }
0xa1: {  	s2 =	sld [smem:$0x7F8];
	_ =	sdelay $0x2  }
0xa2: {  	s3 =	sshrl.u32 @!p0 s2, $0x3;
	s2 =	sld [smem:$0x7F9];
	_ =	sdelay $0x1  }
0xa3: {  	[smem:$0x7F6] =	sst s3  }
0xa4: {  	[spmem:s3@s16], [sflag:s22] =	dma.strided @!p0 [hbm:s2@s24], $0x280, s10, $0x8   }
0xa5: {  	_ =	swait.ge [sflag:s26], $0x280  }
0xa6: {  	[sflag:s26] =	ssyncset.done $0x0  }
0xa7: {  	[sflag:s26] =	ssyncadd.s32 $0xFFFFFD80  }
0xa8: {  	_ =	swait.ge [sflag:s26], $0x280  }
0xa9: {  	[sflag:s26] =	ssyncset.done $0x0  }
0xaa: {  	[sflag:s26] =	ssyncadd.s32 $0xFFFFFD80  }
0xab: {  	_ =	swait.ge [sflag:s26], $0x280  }
0xac: {  	[sflag:s26] =	ssyncset.done $0x0  }
0xad: {  	[sflag:s26] =	ssyncadd.s32 $0xFFFFFD80  }
0xae: {  	_ =	swait.ge [sflag:s26], $0x280  }
0xaf: {  	[sflag:s26] =	ssyncset.done $0x0  }
0xb0: {  	[sflag:s26] =	ssyncadd.s32 $0xFFFFFD80  }
0xb1: {  	_ =	swait.ge [sflag:s26], $0x280  }
0xb2: {  	[sflag:s26] =	ssyncset.done $0x0  }
0xb3: {  	s10 =	simm.s32 @!p0 $0x7;
	[sflag:s26] =	ssyncadd.s32 $0xFFFFFD80  }
0xb4: {  	_ =	swait.ge @!p0 [sflag:s10], $0x280  }
0xb5: {  	[sflag:s10] =	ssyncset.done @!p0 $0x0  }
0xb6: {  	[sflag:s10] =	ssyncadd.s32 @!p0 $0xFFFFFD80  }
0xb7: {  	_ =	swait.ge @!p0 [sflag:s10], $0x280  }
0xb8: {  	[sflag:s10] =	ssyncset.done @!p0 $0x0  }
0xb9: {  	[sflag:s10] =	ssyncadd.s32 @!p0 $0xFFFFFD80  }
0xba: {  	_ =	swait.ge @!p0 [sflag:s10], $0x280  }
0xbb: {  	[sflag:s10] =	ssyncset.done @!p0 $0x0  }
.Ltmp2:
0xbc: {  	[sflag:s10] =	ssyncadd.s32 @!p0 $0xFFFFFD80;
	(pc) =	sbr.rel .LBB2_2-.Ltmp2, $4  }
0xbd: {  	[bflag:$0x0] =	sbarrier.arrive $0xFFFF  }
0xbe: {  	s24 =	sld [smem:$0x7FD]  }
0xbf: {  	s25 =	sld [smem:$0x7FC]  }
0xc0: {  	s10 =	simm.s32 $0x0;
	s31 =	sld [smem:$0x7FB]  }
.LBB2_6:
0xc1: {  	_ =	swait.ge [sflag:s28], $0x6400  }
0xc2: {  	[sflag:s28] =	ssyncset.done $0x0  }
0xc3: {  	[sflag:s28] =	ssyncadd.s32 $0xFFFF9C00  }
0xc4: {  	_ =	swait.ge [sflag:s29], $0x190  }
0xc5: {  	[sflag:s29] =	ssyncset.done $0x0  }
0xc6: {  	[sflag:s29] =	ssyncadd.s32 $0xFFFFFE70  }
0xc7: {  	[spmem:s13] =	stream.indirect.scatter.add.f32 [tilespmem:s20], [sflag:$0x7], $0x40, s21, s30, $0xb8;
	[tilespmem:$0x1D0B0] =	vst v63  }
0xc8: {  	s2 =	simm.s32 $0x1CF70;
	s3 =	simm.s32 $0x17C00  }
0xc9: {  	[spmem:s13] =	stream.indirect.scatter.add.f32 [tilespmem:s3], [sflag:$0x7], $0x40, s2, s30, $0xb8;
	[tilespmem:$0x1D0B0] =	vst v63  }
0xca: {  	s17 =	simm.s32 $0x1CFC0;
	s18 =	simm.s32 $0x19000  }
0xcb: {  	[spmem:s13] =	stream.indirect.scatter.add.f32 [tilespmem:s18], [sflag:$0x7], $0x40, s17, s30, $0xb8;
	[tilespmem:$0x1D0B0] =	vst v63  }
0xcc: {  	s16 =	simm.s32 $0x1A400;
	p1 =	sgt.u32 s10, $0x2E;
	s3 =	simm.s32 $0x1D010  }
0xcd: {  	[spmem:s13] =	stream.indirect.scatter.add.f32 [tilespmem:s16], [sflag:$0x7], $0x40, s3, s30, $0xb8;
	[tilespmem:$0x1D0B0] =	vst v63  }
0xce: {  	s2 =	smulhi.u32 @!p1 $0x66666667, s25;
	s3 =	sshra.s32 @!p1 s25, $0x1F  }
0xcf: {  	s17 =	simm.s32 $0x1D060;
	s18 =	simm.s32 $0x1B800;
	s3 =	smul.u32 @!p1 $0x66666667, s3  }
0xd0: {  	[spmem:s13] =	stream.indirect.scatter.add.f32 [tilespmem:s18], [sflag:$0x7], $0x40, s17, s30, $0xb8;
	[tilespmem:$0x1D0B0] =	vst v63  }
0xd1: {  	_ =	swait.ge [sflag:s26], $0x1400  }
0xd2: {  	s2 =	sadd.s32 @!p1 s3, s2;
	[sflag:s26] =	ssyncset.done $0x0  }
0xd3: {  	s3 =	sshrl.u32 @!p1 s2, $0x1F;
	s2 =	sshra.s32 @!p1 s2, $0x5;
	[sflag:s26] =	ssyncadd.s32 $0xFFFFEC00  }
0xd4: {  	s2 =	sadd.s32 @!p1 s3, s2;
	_ =	swait.ge [sflag:s26], $0x1400  }
0xd5: {  	s3 =	smul.u32 @!p1 $0xFFFFFFB0, s2;
	[sflag:s26] =	ssyncset.done $0x0  }
0xd6: {  	[sflag:s26] =	ssyncadd.s32 $0xFFFFEC00  }
0xd7: {  	p2 =	slt.s32 @!p1 s25, $0x1;
	p3 =	sne.s32 @!p1 s31, s3;
	_ =	swait.ge [sflag:s26], $0x1400  }
0xd8: {  	p2 =	por @!p1 !p2, !p3;
	[sflag:s26] =	ssyncset.done $0x0  }
0xd9: {  	p2 =	por @!p1 !p2, !p2;
	[sflag:s26] =	ssyncadd.s32 $0xFFFFEC00  }
0xda: {  	s3 =	simm.s32 @!p1 $0x1;
	p2 =	por !p2, p1;
	_ =	swait.ge [sflag:s26], $0x1400  }
0xdb: {  	s3 =	simm.s32 @p2 $0x0;
	[sflag:s26] =	ssyncset.done $0x0  }
0xdc: {  	s16 =	sshrl.u32 @!p1 s24, $0x3;
	s2 =	ssub.s32 @!p1 s2, s3;
	[sflag:s26] =	ssyncadd.s32 $0xFFFFEC00  }
0xdd: {  	s16 =	sadd.s32 @!p1 s8, s16;
	s2 =	smul.u32 @!p1 $0x50, s2;
	_ =	swait.ge [sflag:s26], $0x1400  }
0xde: {  	s17 =	simm.s32 @!p1 $0x40;
	s18 =	simm.s32 @!p1 $0x16800;
	[sflag:s26] =	ssyncset.done $0x0  }
0xdf: {  	s3 =	simm.s32 @!p1 $0x80;
	s2 =	sshrl.u32 @!p1 s2, $0x3;
	[sflag:s26] =	ssyncadd.s32 $0xFFFFEC00  }
0xe0: {  	[tilespmem:s18], [sflag:$0x3] =	stream.strided.gather @!p1 [hbm4b:s16+s17], $0x6400, s3, s17, $0x38;
	[tilespmem:$0x1D0B0] =	vst v63  }
0xe1: {  	s2 =	sadd.s32 @!p1 s11, s2;
	s3 =	simm.s32 @!p1 $0x0;
	s16 =	simm.s32 @!p1 $0x1CF20  }
0xe2: {  	[tilespmem:s16], [sflag:$0x6] =	stream.linear.gather @!p1 [hbm4b:s2+s3], $0x190, $0x38;
	[tilespmem:$0x1D0B0] =	vst v63  }
.LBB2_7:
0xe3: {  	s10 =	sadd.s32 $0x1, s10  }
0xe4: {  	p1 =	sne.s32 s10, $0x32  }
.Ltmp3:
0xe5: {  	_ = 	snop;
	(pc) =	sbr.rel @!p1 .LBB2_8-.Ltmp3, $2  }
0xe6: {  	_ =	sdelay $0x2  }
0xe7: {  	s31 =	sadd.s32 $0xFFFFFE70, s31;
	s25 =	sadd.s32 $0x190, s25;
	s24 =	sadd.s32 $0xC800, s24  }
.LBB2_2:
0xe8: {  	s16 =	smul.u32 $0xAB, s10;
	_ =	sdelay $0x1  }
0xe9: {  	s16 =	sshrl.u32 s16, $0x9  }
0xea: {  	s16 =	sand.u32 $0x7F, s16  }
0xeb: {  	s16 =	smul.u32 $0x3, s16;
	_ =	sdelay $0x1  }
0xec: {  	s16 =	ssub.s32 s10, s16  }
0xed: {  	s16 =	sand.u32 $0xFF, s16  }
0xee: {  	p1 =	seq.s32 s16, $0x2  }
.Ltmp4:
0xef: {  	_ = 	snop;
	(pc) =	sbr.rel @p1 .LBB2_6-.Ltmp4, $1  }
0xf0: {  	_ =	sdelay $0x3  }
0xf1: {  	p1 =	seq.s32 s16, $0x1  }
.Ltmp5:
0xf2: {  	_ = 	snop;
	(pc) =	sbr.rel @!p1 .LBB2_4-.Ltmp5, $1  }
0xf3: {  	_ =	sdelay $0x3  }
0xf4: {  	_ =	swait.ge [sflag:s7], $0x6400  }
0xf5: {  	[sflag:s7] =	ssyncset.done $0x0  }
0xf6: {  	[sflag:s7] =	ssyncadd.s32 $0xFFFF9C00  }
0xf7: {  	_ =	swait.ge [sflag:s9], $0x190  }
0xf8: {  	[sflag:s9] =	ssyncset.done $0x0  }
0xf9: {  	s2 =	simm.s32 $0x10400;
	[sflag:s9] =	ssyncadd.s32 $0xFFFFFE70  }
0xfa: {  	[spmem:s13] =	stream.indirect.scatter.add.f32 [tilespmem:s2], [sflag:$0x7], $0x40, s19, s30, $0xb8;
	[tilespmem:$0x1D0B0] =	vst v63  }
0xfb: {  	s16 =	simm.s32 $0x1CDE0;
	s3 =	simm.s32 $0x11800  }
0xfc: {  	[spmem:s13] =	stream.indirect.scatter.add.f32 [tilespmem:s3], [sflag:$0x7], $0x40, s16, s30, $0xb8;
	[tilespmem:$0x1D0B0] =	vst v63  }
0xfd: {  	s17 =	simm.s32 $0x1CE30;
	s18 =	simm.s32 $0x12C00  }
0xfe: {  	[spmem:s13] =	stream.indirect.scatter.add.f32 [tilespmem:s18], [sflag:$0x7], $0x40, s17, s30, $0xb8;
	[tilespmem:$0x1D0B0] =	vst v63  }
0xff: {  	p1 =	sgt.u32 s10, $0x2E;
	s3 =	simm.s32 $0x1CE80;
	s16 =	simm.s32 $0x14000  }
0x100: {  	[spmem:s13] =	stream.indirect.scatter.add.f32 [tilespmem:s16], [sflag:$0x7], $0x40, s3, s30, $0xb8;
	[tilespmem:$0x1D0B0] =	vst v63  }
0x101: {  	s2 =	smulhi.u32 @!p1 $0x66666667, s25;
	s3 =	sshra.s32 @!p1 s25, $0x1F  }
0x102: {  	s17 =	simm.s32 $0x1CED0;
	s18 =	simm.s32 $0x15400;
	s3 =	smul.u32 @!p1 $0x66666667, s3  }
0x103: {  	[spmem:s13] =	stream.indirect.scatter.add.f32 [tilespmem:s18], [sflag:$0x7], $0x40, s17, s30, $0xb8;
	[tilespmem:$0x1D0B0] =	vst v63  }
0x104: {  	_ =	swait.ge [sflag:s26], $0x1400  }
0x105: {  	s2 =	sadd.s32 @!p1 s3, s2;
	[sflag:s26] =	ssyncset.done $0x0  }
0x106: {  	s3 =	sshrl.u32 @!p1 s2, $0x1F;
	s2 =	sshra.s32 @!p1 s2, $0x5;
	[sflag:s26] =	ssyncadd.s32 $0xFFFFEC00  }
0x107: {  	s2 =	sadd.s32 @!p1 s3, s2;
	_ =	swait.ge [sflag:s26], $0x1400  }
0x108: {  	s3 =	smul.u32 @!p1 $0xFFFFFFB0, s2;
	[sflag:s26] =	ssyncset.done $0x0  }
0x109: {  	[sflag:s26] =	ssyncadd.s32 $0xFFFFEC00  }
0x10a: {  	p2 =	slt.s32 @!p1 s25, $0x1;
	p3 =	sne.s32 @!p1 s31, s3;
	_ =	swait.ge [sflag:s26], $0x1400  }
0x10b: {  	p2 =	por @!p1 !p2, !p3;
	[sflag:s26] =	ssyncset.done $0x0  }
0x10c: {  	p2 =	por @!p1 !p2, !p2;
	[sflag:s26] =	ssyncadd.s32 $0xFFFFEC00  }
0x10d: {  	s3 =	simm.s32 @!p1 $0x1;
	p2 =	por !p2, p1;
	_ =	swait.ge [sflag:s26], $0x1400  }
0x10e: {  	s16 =	sshrl.u32 @!p1 s24, $0x3;
	s3 =	simm.s32 @p2 $0x0;
	[sflag:s26] =	ssyncset.done $0x0  }
0x10f: {  	s16 =	sadd.s32 @!p1 s8, s16;
	s2 =	ssub.s32 @!p1 s2, s3;
	[sflag:s26] =	ssyncadd.s32 $0xFFFFEC00  }
0x110: {  	s17 =	simm.s32 @!p1 $0x40;
	s2 =	smul.u32 @!p1 $0x50, s2;
	_ =	swait.ge [sflag:s26], $0x1400  }
.Ltmp6:
0x111: {  	s18 =	simm.s32 @!p1 $0x10400;
	[sflag:s26] =	ssyncset.done $0x0;
	(pc) =	sbr.rel .LBB2_7-.Ltmp6, $4  }
0x112: {  	s3 =	simm.s32 @!p1 $0x80;
	s2 =	sshrl.u32 @!p1 s2, $0x3;
	[sflag:s26] =	ssyncadd.s32 $0xFFFFEC00  }
0x113: {  	[tilespmem:s18], [sflag:$0x2] =	stream.strided.gather @!p1 [hbm4b:s16+s17], $0x6400, s3, s17, $0x38;
	[tilespmem:$0x1D0B0] =	vst v63  }
0x114: {  	s2 =	sadd.s32 @!p1 s11, s2;
	s3 =	simm.s32 @!p1 $0x0;
	s16 =	simm.s32 @!p1 $0x1CD90  }
0x115: {  	[tilespmem:s16], [sflag:$0x5] =	stream.linear.gather @!p1 [hbm4b:s2+s3], $0x190, $0x38;
	[tilespmem:$0x1D0B0] =	vst v63  }
.LBB2_4:
0x116: {  	_ =	swait.ge [sflag:s23], $0x6400  }
0x117: {  	[sflag:s23] =	ssyncset.done $0x0  }
0x118: {  	[sflag:s23] =	ssyncadd.s32 $0xFFFF9C00  }
0x119: {  	_ =	swait.ge [sflag:s0], $0x190  }
0x11a: {  	[sflag:s0] =	ssyncset.done $0x0  }
0x11b: {  	s2 =	simm.s32 $0xA000;
	s3 =	simm.s32 $0x1CC00;
	[sflag:s0] =	ssyncadd.s32 $0xFFFFFE70  }
0x11c: {  	[spmem:s13] =	stream.indirect.scatter.add.f32 [tilespmem:s2], [sflag:$0x7], $0x40, s3, s30, $0xb8;
	[tilespmem:$0x1D0B0] =	vst v63  }
0x11d: {  	s17 =	simm.s32 $0x1CC50;
	s18 =	simm.s32 $0xB400  }
0x11e: {  	[spmem:s13] =	stream.indirect.scatter.add.f32 [tilespmem:s18], [sflag:$0x7], $0x40, s17, s30, $0xb8;
	[tilespmem:$0x1D0B0] =	vst v63  }
0x11f: {  	_ = 	snop  }
0x120: {  	[spmem:s13] =	stream.indirect.scatter.add.f32 [tilespmem:s5], [sflag:$0x7], $0x40, s4, s30, $0xb8;
	[tilespmem:$0x1D0B0] =	vst v63  }
0x121: {  	p1 =	sgt.u32 s10, $0x2E  }
0x122: {  	[spmem:s13] =	stream.indirect.scatter.add.f32 [tilespmem:s12], [sflag:$0x7], $0x40, s6, s30, $0xb8;
	[tilespmem:$0x1D0B0] =	vst v63  }
0x123: {  	s16 =	smulhi.u32 @!p1 $0x66666667, s25;
	s17 =	sshra.s32 @!p1 s25, $0x1F  }
0x124: {  	[spmem:s13] =	stream.indirect.scatter.add.f32 [tilespmem:s14], [sflag:$0x7], $0x40, s1, s30, $0xb8;
	[tilespmem:$0x1D0B0] =	vst v63  }
0x125: {  	s17 =	smul.u32 @!p1 $0x66666667, s17;
	_ =	swait.ge [sflag:s26], $0x1400  }
0x126: {  	[sflag:s26] =	ssyncset.done $0x0  }
0x127: {  	s16 =	sadd.s32 @!p1 s17, s16;
	[sflag:s26] =	ssyncadd.s32 $0xFFFFEC00  }
0x128: {  	s17 =	sshrl.u32 @!p1 s16, $0x1F;
	s16 =	sshra.s32 @!p1 s16, $0x5;
	_ =	swait.ge [sflag:s26], $0x1400  }
0x129: {  	s16 =	sadd.s32 @!p1 s17, s16;
	[sflag:s26] =	ssyncset.done $0x0  }
0x12a: {  	s17 =	smul.u32 @!p1 $0xFFFFFFB0, s16;
	[sflag:s26] =	ssyncadd.s32 $0xFFFFEC00  }
0x12b: {  	_ =	swait.ge [sflag:s26], $0x1400  }
0x12c: {  	p2 =	slt.s32 @!p1 s25, $0x1;
	p3 =	sne.s32 @!p1 s31, s17;
	[sflag:s26] =	ssyncset.done $0x0  }
0x12d: {  	p2 =	por @!p1 !p2, !p3;
	[sflag:s26] =	ssyncadd.s32 $0xFFFFEC00  }
0x12e: {  	s2 =	sshrl.u32 @!p1 s24, $0x3;
	p2 =	por @!p1 !p2, !p2;
	_ =	swait.ge [sflag:s26], $0x1400  }
0x12f: {  	s17 =	simm.s32 @!p1 $0x1;
	p2 =	por !p2, p1;
	[sflag:s26] =	ssyncset.done $0x0  }
0x130: {  	s3 =	simm.s32 @!p1 $0xA000;
	s17 =	simm.s32 @p2 $0x0;
	[sflag:s26] =	ssyncadd.s32 $0xFFFFEC00  }
0x131: {  	s2 =	sadd.s32 @!p1 s8, s2;
	s16 =	ssub.s32 @!p1 s16, s17;
	_ =	swait.ge [sflag:s26], $0x1400  }
0x132: {  	s18 =	simm.s32 @!p1 $0x40;
	s16 =	smul.u32 @!p1 $0x50, s16;
	[sflag:s26] =	ssyncset.done $0x0  }
.Ltmp7:
0x133: {  	s17 =	simm.s32 @!p1 $0x80;
	[sflag:s26] =	ssyncadd.s32 $0xFFFFEC00;
	(pc) =	sbr.rel .LBB2_7-.Ltmp7, $4  }
0x134: {  	[tilespmem:s3], [sflag:$0x1] =	stream.strided.gather @!p1 [hbm4b:s2+s18], $0x6400, s17, s18, $0x38;
	[tilespmem:$0x1D0B0] =	vst v63  }
0x135: {  	s2 =	sshrl.u32 @!p1 s16, $0x3  }
0x136: {  	s3 =	simm.s32 @!p1 $0x0;
	s16 =	simm.s32 @!p1 $0x1CC00;
	s2 =	sadd.s32 @!p1 s11, s2  }
0x137: {  	[tilespmem:s16], [sflag:$0x4] =	stream.linear.gather @!p1 [hbm4b:s2+s3], $0x190, $0x38;
	[tilespmem:$0x1D0B0] =	vst v63  }
.LBB2_9:
0x138: {  	_ =	sfence.sel $0x180000  }
0x139: {  	[bflag:$0x0] =	sbarrier.arrive $0xFFFF  }
0x13a: {  	_ =	strace $0x90000047  }
0x13b: {  	s0 =	stileid.u32;
	[bflag:$0x2] =	sbarrier.arrive $0xFFFF  }
0x13c: {  	p0 =	sne.s32 s0, $0x0;
	s0 =	rddreg [dreg:$0x4]  }
0x13d: {  	s0 =	sadd.s32 @!p0 $0x100000, s0  }
0x13e: {  	[sflag:s0] =	ssyncadd.tile.s32 @!p0 $0x1;
	_ =	shalt  }
.Lfunc_end2:
_tile_overlayer_lowered:
.L_overlay_start_2:
0x13f: {  	(tag) =	ssettag $0x2  }
0x140: {  	s0 =	rddreg [dreg:$0x0];
	s2 =	stileid.u32  }
0x141: {  	s1 =	rddreg [dreg:$0x1];
	p0 =	sne.s32 s2, $0x0  }
0x142: {  	s3 =	rddreg [dreg:$0x2];
	[bflag:$0x3] =	sbarrier.arrive $0xFFFF;
	s2 =	simm.s32 @!p0 $0x1C08  }
0x143: {  	[timem:s3], [sflag:s2] =	dma.local @!p0 [hbm:s0], s1  }
0x144: {  	s0 =	simm.s32 @!p0 $0x8  }
0x145: {  	_ =	swait.ge @!p0 [sflag:s0], s1  }
0x146: {  	s1 =	ssub.s32 @!p0 $0x0, s1;
	[sflag:s0] =	ssyncset.done @!p0 $0x0  }
0x147: {  	[sflag:s0] =	ssyncadd.s32 @!p0 s1  }
0x148: {  	[bflag:$0x3] =	sbarrier.arrive $0xFFFF  }
0x149: {  	_ =	shalt  }

</sc_bundles>
